<compile_context>
chip_gen: v7x
topology: tpu7x:2x2x1
jax: 0.10.2.dev20260603
libtpu: 0.0.44.dev20260713+nightly
codegen_flags: <defaults>
</compile_context>

<pallas_src>
import functools

import jax
import jax.numpy as jnp
from jax import lax
from jax.experimental import pallas as pl
from jax.experimental.pallas import tpu as pltpu
from jax.experimental.pallas import tpu_sc as plsc

N = 10000
E = 320000
IN = 128
OUT = 64
NC = 2
NS = 16
NW = NC * NS
CHUNK = 128
CPW = 80
EP = NW * CPW * CHUNK
NP = 10240
ROWS_PT = NP // NS


def _sc_mesh():
    return plsc.VectorSubcoreMesh(
        core_axis_name="c", subcore_axis_name="s", num_cores=NC, num_subcores=NS
    )


_SC_PARAMS = pltpu.CompilerParams(use_tc_tiling_on_sc=False)


@functools.partial(
    pl.kernel,
    out_type=jax.ShapeDtypeStruct((NC, NP), jnp.float32),
    mesh=_sc_mesh(),
    compiler_params=_SC_PARAMS,
    scratch_types=[
        pltpu.VMEM((CPW, CHUNK), jnp.int32),
        pltpu.VMEM((CHUNK,), jnp.float32),
        pltpu.VMEM_SHARED((NP,), jnp.float32),
        pltpu.SemaphoreType.DMA,
    ],
)
def _count_kernel(dst_hbm, zeros1_hbm, cnt_hbm, didx_v, ones_v, cnt_sp, sem):
    c = lax.axis_index("c")
    s = lax.axis_index("s")
    w = s * NC + c
    one = jnp.full((16,), 1.0, jnp.float32)
    for i in range(CHUNK // 16):
        ones_v[pl.ds(i * 16, 16)] = one
    r0 = s * ROWS_PT
    pltpu.sync_copy(zeros1_hbm.at[pl.ds(r0, ROWS_PT)], cnt_sp.at[pl.ds(r0, ROWS_PT)])
    pltpu.sync_copy(dst_hbm.at[pl.ds(w * CPW, CPW)], didx_v)
    plsc.subcore_barrier()

    def body(j, carry):
        pltpu.async_copy(ones_v, cnt_sp.at[didx_v.at[j]], sem, add=True)
        return carry

    lax.fori_loop(0, CPW, body, 0)

    def drain(j, carry):
        pltpu.make_async_copy(ones_v, cnt_sp.at[didx_v.at[0]], sem).wait()
        return carry

    lax.fori_loop(0, CPW, drain, 0)
    plsc.subcore_barrier()
    pltpu.sync_copy(cnt_sp.at[pl.ds(r0, ROWS_PT)], cnt_hbm.at[c, pl.ds(r0, ROWS_PT)])


def _dense_body(x_ref, w_ref, dinv_ref, g_ref):
    h = jnp.dot(x_ref[...], w_ref[...], preferred_element_type=jnp.float32)
    g_ref[...] = h * dinv_ref[...]


@functools.partial(
    pl.kernel,
    out_type=pltpu.HBM((NC, NP, OUT), jnp.float32),
    mesh=_sc_mesh(),
    compiler_params=_SC_PARAMS,
    scratch_types=[
        pltpu.VMEM((CPW, CHUNK), jnp.int32),
        pltpu.VMEM((CPW, CHUNK), jnp.int32),
        [pltpu.VMEM((CHUNK, OUT), jnp.float32) for _ in range(8)],
        pltpu.VMEM_SHARED((NP, OUT), jnp.float32),
        [pltpu.SemaphoreType.DMA for _ in range(8)],
    ],
)
def _aggregate_kernel(g_hbm, src_hbm, dst_hbm, p_hbm,
                      sidx_v, didx_v, rows, acc_sp, sems):
    c = lax.axis_index("c")
    s = lax.axis_index("s")
    w = s * NC + c
    r0 = s * ROWS_PT
    pltpu.async_copy(g_hbm.at[pl.ds(r0, ROWS_PT)], acc_sp.at[pl.ds(r0, ROWS_PT)], sems[0])
    pltpu.async_copy(src_hbm.at[pl.ds(w * CPW, CPW)], sidx_v, sems[1])
    pltpu.async_copy(dst_hbm.at[pl.ds(w * CPW, CPW)], didx_v, sems[2])
    pltpu.make_async_copy(g_hbm.at[pl.ds(r0, ROWS_PT)], acc_sp.at[pl.ds(r0, ROWS_PT)], sems[0]).wait()
    pltpu.make_async_copy(src_hbm.at[pl.ds(w * CPW, CPW)], sidx_v, sems[1]).wait()
    pltpu.make_async_copy(dst_hbm.at[pl.ds(w * CPW, CPW)], didx_v, sems[2]).wait()
    plsc.subcore_barrier()

    for b in range(8):
        pltpu.async_copy(g_hbm.at[sidx_v.at[b]], rows[b], sems[b])

    def body(k, carry):
        j = 8 * k
        for b in range(8):
            pltpu.make_async_copy(g_hbm.at[sidx_v.at[j + b]], rows[b], sems[b]).wait()
            pltpu.async_copy(rows[b], acc_sp.at[didx_v.at[j + b]], sems[b], add=True)
        for b in range(8):
            pltpu.make_async_copy(rows[b], acc_sp.at[didx_v.at[j + b]], sems[b]).wait()

            @pl.when(j + b + 8 < CPW)
            def _():
                pltpu.async_copy(g_hbm.at[sidx_v.at[j + b + 8]], rows[b], sems[b])

        return carry

    lax.fori_loop(0, CPW // 8, body, 0)
    plsc.subcore_barrier()
    pltpu.sync_copy(acc_sp.at[pl.ds(r0, ROWS_PT)], p_hbm.at[c, pl.ds(r0, ROWS_PT)])


def _final_body(p_ref, g_ref, dinv_ref, b_ref, o_ref):
    t = (p_ref[0] + p_ref[1] - g_ref[...]) * dinv_ref[...] + b_ref[...]
    o_ref[...] = jnp.maximum(t, 0.0)


def kernel(x, tensor_3d, edge_index, add_3d, W0, b0, W1, b1, W2, b2, W3, b3, W4, b4):
    f32 = jnp.float32
    t3 = jnp.where(add_3d, tensor_3d, jnp.zeros_like(tensor_3d))
    xfull = jnp.concatenate([x, t3], axis=1)
    xfull_pad = jnp.zeros((NP, IN), f32).at[:N].set(xfull)

    src = edge_index[0]
    dst = edge_index[1]
    pad_idx = N + (jnp.arange(EP - E, dtype=jnp.int32) % 16)
    src_pad = jnp.concatenate([src, pad_idx]).reshape(NW * CPW, CHUNK)
    dst_pad = jnp.concatenate([dst, pad_idx]).reshape(NW * CPW, CHUNK)

    zeros1 = jnp.zeros((NP,), f32)

    cnt = _count_kernel(dst_pad, zeros1)
    dinv2d = lax.rsqrt(1.0 + cnt[0] + cnt[1]).reshape(NP, 1)

    g_pad = pl.pallas_call(
        _dense_body,
        out_shape=jax.ShapeDtypeStruct((NP, OUT), f32),
    )(xfull_pad, W4, dinv2d)

    p = _aggregate_kernel(g_pad, src_pad, dst_pad)

    out = pl.pallas_call(
        _final_body,
        out_shape=jax.ShapeDtypeStruct((N, OUT), f32),
        grid=(1,),
        in_specs=[
            pl.BlockSpec((NC, N, OUT), lambda i: (0, 0, 0)),
            pl.BlockSpec((N, OUT), lambda i: (0, 0)),
            pl.BlockSpec((N, 1), lambda i: (0, 0)),
            pl.BlockSpec((1, OUT), lambda i: (0, 0)),
        ],
        out_specs=pl.BlockSpec((N, OUT), lambda i: (0, 0)),
    )(p, g_pad, dinv2d, b4.reshape(1, OUT))
    return out

# --- scband reference (transcript-rebuilt; emitter-appended) ---
"""Pipeline reference for scband-simple-gcn-84026740179211 (READ-ONLY COPY).

The authoritative reference and input builder live on the scoring server;
editing this copy changes nothing except your own understanding.
"""

import jax, jax.numpy as jnp
import numpy as np

N = 10000
E = 320000
IN = 128
EMB = 128
OUT = 64
DEPTH = 5

def setup_inputs(seed: int = 0):
    key = jax.random.key(seed)
    ks = jax.random.split(key, 24)
    x = jax.random.normal(ks[0], (N, IN - 3), dtype=jnp.float32)
    tensor_3d = jax.random.normal(ks[1], (N, 3), dtype=jnp.float32)
    edge_index = jax.random.randint(ks[2], (2, E), 0, N, dtype=jnp.int32)
    dims = [(IN, EMB), (EMB, EMB), (EMB, EMB), (EMB, EMB), (EMB, OUT)]
    inp = {"x": x, "tensor_3d": tensor_3d, "edge_index": edge_index, "add_3d": True}
    for i, (di, do) in enumerate(dims):
        scale = 1.0 / np.sqrt(di)
        inp[f"W{i}"] = jax.random.uniform(ks[3 + 2 * i], (di, do), jnp.float32, -scale, scale)
        inp[f"b{i}"] = jax.random.uniform(ks[4 + 2 * i], (do,), jnp.float32, -scale, scale)
    return inp

def _dropout(key, h, p=0.2):
    keep = jax.random.bernoulli(key, 1.0 - p, h.shape)
    return jnp.where(keep, h / (1.0 - p), jnp.zeros_like(h))

def _gcn_conv(x, src, dst, norm, W, b, n):
    h = x @ W
    msg = h[src] * norm[:, None]
    return jax.ops.segment_sum(msg, dst, num_segments=n) + b

def reference(x, tensor_3d, edge_index, add_3d, W0, b0, W1, b1, W2, b2, W3, b3, W4, b4):
    x = jnp.concatenate([x, jnp.where(add_3d, tensor_3d, jnp.zeros_like(tensor_3d))], axis=1)
    n = x.shape[0]
    loops = jnp.arange(n, dtype=edge_index.dtype)
    src = jnp.concatenate([edge_index[0], loops])
    dst = jnp.concatenate([edge_index[1], loops])
    deg = jax.ops.segment_sum(jnp.ones(src.shape[0], jnp.float32), dst, num_segments=n)
    dinv = jnp.where(deg > 0, 1.0 / jnp.sqrt(deg), 0.0)
    norm = dinv[src] * dinv[dst]
    Ws = [W0, W1, W2, W3, W4]
    bs = [b0, b1, b2, b3, b4]
    dk = jax.random.key(42)
    h = x
    for i in range(DEPTH):
        # NOTE: faithful to the original torch code, each layer reads the ORIGINAL x
        # (the torch forward never re-assigns x = h), so intermediate h's are discarded.
        h = _gcn_conv(x, src, dst, norm, Ws[i], bs[i], n)
        if i != DEPTH - 1:
            h = _dropout(jax.random.fold_in(dk, i), jax.nn.relu(h), 0.2)
        else:
            h = jax.nn.relu(h)
    # torch h.squeeze(1) is a no-op since dim 1 has size OUT != 1
    return h

if __name__ == "__main__":
    import jax
    _d = setup_inputs()
    print(jax.jit(kernel)(*tuple(_d.values())))

</pallas_src>

<mosaic_0001>
#map = affine_map<(d0, d1) -> (0, 0)>
#map1 = affine_map<(d0, d1) -> (0, 0, 0)>
module attributes {stable_mosaic.version = 14 : i64} {
  func.func @_aggregate_kernel(%arg0: i32, %arg1: i32, %arg2: memref<10240x64xf32, #tpu.memory_space<hbm>>, %arg3: memref<2560x128xi32, #tpu.memory_space<hbm>>, %arg4: memref<2560x128xi32, #tpu.memory_space<hbm>>, %arg5: memref<2x10240x64xf32, #tpu.memory_space<hbm>>, %arg6: memref<80x128xi32, #tpu.memory_space<vmem>>, %arg7: memref<80x128xi32, #tpu.memory_space<vmem>>, %arg8: memref<128x64xf32, #tpu.memory_space<vmem>>, %arg9: memref<128x64xf32, #tpu.memory_space<vmem>>, %arg10: memref<128x64xf32, #tpu.memory_space<vmem>>, %arg11: memref<128x64xf32, #tpu.memory_space<vmem>>, %arg12: memref<128x64xf32, #tpu.memory_space<vmem>>, %arg13: memref<128x64xf32, #tpu.memory_space<vmem>>, %arg14: memref<128x64xf32, #tpu.memory_space<vmem>>, %arg15: memref<128x64xf32, #tpu.memory_space<vmem>>, %arg16: memref<10240x64xf32, #tpu.memory_space<vmem_shared>>, %arg17: memref<!tpu.dma_semaphore, #tpu.memory_space<semaphore_mem>>, %arg18: memref<!tpu.dma_semaphore, #tpu.memory_space<semaphore_mem>>, %arg19: memref<!tpu.dma_semaphore, #tpu.memory_space<semaphore_mem>>, %arg20: memref<!tpu.dma_semaphore, #tpu.memory_space<semaphore_mem>>, %arg21: memref<!tpu.dma_semaphore, #tpu.memory_space<semaphore_mem>>, %arg22: memref<!tpu.dma_semaphore, #tpu.memory_space<semaphore_mem>>, %arg23: memref<!tpu.dma_semaphore, #tpu.memory_space<semaphore_mem>>, %arg24: memref<!tpu.dma_semaphore, #tpu.memory_space<semaphore_mem>>) attributes {dimension_semantics = [#tpu.dimension_semantics<core_parallel>, #tpu.dimension_semantics<subcore_parallel>], iteration_bounds = array<i64: 2, 16>, scalar_prefetch = 0 : i64, scratch_operands = 19 : i64, tpu.core_type = #tpu.core_type<sc_vector_subcore>, window_params = [{transform_indices = #map}, {transform_indices = #map}, {transform_indices = #map}, {transform_indices = #map1}]} {
    %mul3A = arith.constant 2 : i32
    %mul3A_0 = arith.muli %arg1, %mul3A : i32
    %add3A = arith.addi %mul3A_0, %arg0 : i32
    %mul3A_1 = arith.constant 640 : i32
    %mul3A_2 = arith.muli %arg1, %mul3A_1 : i32
    %dma_start3A = arith.constant 0 : i32
    %dma_start3A_3 = tpu.memref_slice %arg16[%mul3A_2, %dma_start3A] : memref<10240x64xf32, #tpu.memory_space<vmem_shared>> -> memref<640x64xf32, #tpu.memory_space<vmem_shared>>
    %dma_start3A_4 = arith.constant 0 : i32
    %dma_start3A_5 = tpu.memref_slice %arg2[%mul3A_2, %dma_start3A_4] : memref<10240x64xf32, #tpu.memory_space<hbm>> -> memref<640x64xf32, #tpu.memory_space<hbm>>
    tpu.enqueue_dma source(%dma_start3A_5 : memref<640x64xf32, #tpu.memory_space<hbm>>) target(%dma_start3A_3 : memref<640x64xf32, #tpu.memory_space<vmem_shared>>) target_semaphore(%arg17 : memref<!tpu.dma_semaphore, #tpu.memory_space<semaphore_mem>>)
    %mul3A_6 = arith.constant 80 : i32
    %mul3A_7 = arith.muli %add3A, %mul3A_6 : i32
    %dma_start3A_8 = arith.constant 0 : i32
    %dma_start3A_9 = tpu.memref_slice %arg3[%mul3A_7, %dma_start3A_8] : memref<2560x128xi32, #tpu.memory_space<hbm>> -> memref<80x128xi32, #tpu.memory_space<hbm>>
    %dma_start3A_10 = arith.constant 0 : i32
    %dma_start3A_11 = tpu.memref_slice %arg3[%mul3A_7, %dma_start3A_10] : memref<2560x128xi32, #tpu.memory_space<hbm>> -> memref<80x128xi32, #tpu.memory_space<hbm>>
    tpu.enqueue_dma source(%dma_start3A_11 : memref<80x128xi32, #tpu.memory_space<hbm>>) target(%arg6 : memref<80x128xi32, #tpu.memory_space<vmem>>) target_semaphore(%arg18 : memref<!tpu.dma_semaphore, #tpu.memory_space<semaphore_mem>>)
    %mul3A_12 = arith.constant 80 : i32
    %mul3A_13 = arith.muli %add3A, %mul3A_12 : i32
    %dma_start3A_14 = arith.constant 0 : i32
    %dma_start3A_15 = tpu.memref_slice %arg4[%mul3A_13, %dma_start3A_14] : memref<2560x128xi32, #tpu.memory_space<hbm>> -> memref<80x128xi32, #tpu.memory_space<hbm>>
    %dma_start3A_16 = arith.constant 0 : i32
    %dma_start3A_17 = tpu.memref_slice %arg4[%mul3A_13, %dma_start3A_16] : memref<2560x128xi32, #tpu.memory_space<hbm>> -> memref<80x128xi32, #tpu.memory_space<hbm>>
    tpu.enqueue_dma source(%dma_start3A_17 : memref<80x128xi32, #tpu.memory_space<hbm>>) target(%arg7 : memref<80x128xi32, #tpu.memory_space<vmem>>) target_semaphore(%arg19 : memref<!tpu.dma_semaphore, #tpu.memory_space<semaphore_mem>>)
    %dma_wait3A = arith.constant 0 : i32
    %dma_wait3A_18 = tpu.memref_slice %arg16[%mul3A_2, %dma_wait3A] : memref<10240x64xf32, #tpu.memory_space<vmem_shared>> -> memref<640x64xf32, #tpu.memory_space<vmem_shared>>
    %dma_wait3A_19 = arith.constant 0 : i32
    %dma_wait3A_20 = tpu.memref_slice %arg2[%mul3A_2, %dma_wait3A_19] : memref<10240x64xf32, #tpu.memory_space<hbm>> -> memref<640x64xf32, #tpu.memory_space<hbm>>
    tpu.wait_dma2 semaphore(%arg17 : memref<!tpu.dma_semaphore, #tpu.memory_space<semaphore_mem>>) src(%dma_wait3A_20 : memref<640x64xf32, #tpu.memory_space<hbm>>) dst(%dma_wait3A_18 : memref<640x64xf32, #tpu.memory_space<vmem_shared>>)
    %mul3A_21 = arith.constant 80 : i32
    %mul3A_22 = arith.muli %add3A, %mul3A_21 : i32
    %dma_wait3A_23 = arith.constant 0 : i32
    %dma_wait3A_24 = tpu.memref_slice %arg3[%mul3A_22, %dma_wait3A_23] : memref<2560x128xi32, #tpu.memory_space<hbm>> -> memref<80x128xi32, #tpu.memory_space<hbm>>
    %dma_wait3A_25 = arith.constant 0 : i32
    %dma_wait3A_26 = tpu.memref_slice %arg3[%mul3A_22, %dma_wait3A_25] : memref<2560x128xi32, #tpu.memory_space<hbm>> -> memref<80x128xi32, #tpu.memory_space<hbm>>
    tpu.wait_dma2 semaphore(%arg18 : memref<!tpu.dma_semaphore, #tpu.memory_space<semaphore_mem>>) src(%dma_wait3A_26 : memref<80x128xi32, #tpu.memory_space<hbm>>) dst(%arg6 : memref<80x128xi32, #tpu.memory_space<vmem>>)
    %mul3A_27 = arith.constant 80 : i32
    %mul3A_28 = arith.muli %add3A, %mul3A_27 : i32
    %dma_wait3A_29 = arith.constant 0 : i32
    %dma_wait3A_30 = tpu.memref_slice %arg4[%mul3A_28, %dma_wait3A_29] : memref<2560x128xi32, #tpu.memory_space<hbm>> -> memref<80x128xi32, #tpu.memory_space<hbm>>
    %dma_wait3A_31 = arith.constant 0 : i32
    %dma_wait3A_32 = tpu.memref_slice %arg4[%mul3A_28, %dma_wait3A_31] : memref<2560x128xi32, #tpu.memory_space<hbm>> -> memref<80x128xi32, #tpu.memory_space<hbm>>
    tpu.wait_dma2 semaphore(%arg19 : memref<!tpu.dma_semaphore, #tpu.memory_space<semaphore_mem>>) src(%dma_wait3A_32 : memref<80x128xi32, #tpu.memory_space<hbm>>) dst(%arg7 : memref<80x128xi32, #tpu.memory_space<vmem>>)
    %barrier3A = arith.constant 0 : index
    tpu.barrier barrier_id(%barrier3A)
    %dma_start3A_33 = arith.constant 0 : i32
    %dma_start3A_34 = arith.constant 0 : i32
    %dma_start3A_35 = tpu.memref_slice %arg6[%dma_start3A_33, %dma_start3A_34] : memref<80x128xi32, #tpu.memory_space<vmem>> -> memref<1x128xi32, #tpu.memory_space<vmem>>
    %dma_start3A_36 = tpu.memref_squeeze %dma_start3A_35 : memref<1x128xi32, #tpu.memory_space<vmem>> -> memref<128xi32, #tpu.memory_space<vmem>>
    %dma_start3A_37 = arith.constant 0 : i32
    %dma_start3A_38 = arith.constant 0 : i32
    %dma_start3A_39 = tpu.memref_slice %arg2[%dma_start3A_37, %dma_start3A_38] : memref<10240x64xf32, #tpu.memory_space<hbm>> -> memref<10240x64xf32, #tpu.memory_space<hbm>>
    tpu.enqueue_indirect_dma source(%dma_start3A_39 : memref<10240x64xf32, #tpu.memory_space<hbm>>) target(%arg8 : memref<128x64xf32, #tpu.memory_space<vmem>>) offsets(%dma_start3A_36 : memref<128xi32, #tpu.memory_space<vmem>>) semaphore(%arg17 : memref<!tpu.dma_semaphore, #tpu.memory_space<semaphore_mem>>)
    %dma_start3A_40 = arith.constant 1 : i32
    %dma_start3A_41 = arith.constant 0 : i32
    %dma_start3A_42 = tpu.memref_slice %arg6[%dma_start3A_40, %dma_start3A_41] : memref<80x128xi32, #tpu.memory_space<vmem>> -> memref<1x128xi32, #tpu.memory_space<vmem>>
    %dma_start3A_43 = tpu.memref_squeeze %dma_start3A_42 : memref<1x128xi32, #tpu.memory_space<vmem>> -> memref<128xi32, #tpu.memory_space<vmem>>
    %dma_start3A_44 = arith.constant 0 : i32
    %dma_start3A_45 = arith.constant 0 : i32
    %dma_start3A_46 = tpu.memref_slice %arg2[%dma_start3A_44, %dma_start3A_45] : memref<10240x64xf32, #tpu.memory_space<hbm>> -> memref<10240x64xf32, #tpu.memory_space<hbm>>
    tpu.enqueue_indirect_dma source(%dma_start3A_46 : memref<10240x64xf32, #tpu.memory_space<hbm>>) target(%arg9 : memref<128x64xf32, #tpu.memory_space<vmem>>) offsets(%dma_start3A_43 : memref<128xi32, #tpu.memory_space<vmem>>) semaphore(%arg18 : memref<!tpu.dma_semaphore, #tpu.memory_space<semaphore_mem>>)
    %dma_start3A_47 = arith.constant 2 : i32
    %dma_start3A_48 = arith.constant 0 : i32
    %dma_start3A_49 = tpu.memref_slice %arg6[%dma_start3A_47, %dma_start3A_48] : memref<80x128xi32, #tpu.memory_space<vmem>> -> memref<1x128xi32, #tpu.memory_space<vmem>>
    %dma_start3A_50 = tpu.memref_squeeze %dma_start3A_49 : memref<1x128xi32, #tpu.memory_space<vmem>> -> memref<128xi32, #tpu.memory_space<vmem>>
    %dma_start3A_51 = arith.constant 0 : i32
    %dma_start3A_52 = arith.constant 0 : i32
    %dma_start3A_53 = tpu.memref_slice %arg2[%dma_start3A_51, %dma_start3A_52] : memref<10240x64xf32, #tpu.memory_space<hbm>> -> memref<10240x64xf32, #tpu.memory_space<hbm>>
    tpu.enqueue_indirect_dma source(%dma_start3A_53 : memref<10240x64xf32, #tpu.memory_space<hbm>>) target(%arg10 : memref<128x64xf32, #tpu.memory_space<vmem>>) offsets(%dma_start3A_50 : memref<128xi32, #tpu.memory_space<vmem>>) semaphore(%arg19 : memref<!tpu.dma_semaphore, #tpu.memory_space<semaphore_mem>>)
    %dma_start3A_54 = arith.constant 3 : i32
    %dma_start3A_55 = arith.constant 0 : i32
    %dma_start3A_56 = tpu.memref_slice %arg6[%dma_start3A_54, %dma_start3A_55] : memref<80x128xi32, #tpu.memory_space<vmem>> -> memref<1x128xi32, #tpu.memory_space<vmem>>
    %dma_start3A_57 = tpu.memref_squeeze %dma_start3A_56 : memref<1x128xi32, #tpu.memory_space<vmem>> -> memref<128xi32, #tpu.memory_space<vmem>>
    %dma_start3A_58 = arith.constant 0 : i32
    %dma_start3A_59 = arith.constant 0 : i32
    %dma_start3A_60 = tpu.memref_slice %arg2[%dma_start3A_58, %dma_start3A_59] : memref<10240x64xf32, #tpu.memory_space<hbm>> -> memref<10240x64xf32, #tpu.memory_space<hbm>>
    tpu.enqueue_indirect_dma source(%dma_start3A_60 : memref<10240x64xf32, #tpu.memory_space<hbm>>) target(%arg11 : memref<128x64xf32, #tpu.memory_space<vmem>>) offsets(%dma_start3A_57 : memref<128xi32, #tpu.memory_space<vmem>>) semaphore(%arg20 : memref<!tpu.dma_semaphore, #tpu.memory_space<semaphore_mem>>)
    %dma_start3A_61 = arith.constant 4 : i32
    %dma_start3A_62 = arith.constant 0 : i32
    %dma_start3A_63 = tpu.memref_slice %arg6[%dma_start3A_61, %dma_start3A_62] : memref<80x128xi32, #tpu.memory_space<vmem>> -> memref<1x128xi32, #tpu.memory_space<vmem>>
    %dma_start3A_64 = tpu.memref_squeeze %dma_start3A_63 : memref<1x128xi32, #tpu.memory_space<vmem>> -> memref<128xi32, #tpu.memory_space<vmem>>
    %dma_start3A_65 = arith.constant 0 : i32
    %dma_start3A_66 = arith.constant 0 : i32
    %dma_start3A_67 = tpu.memref_slice %arg2[%dma_start3A_65, %dma_start3A_66] : memref<10240x64xf32, #tpu.memory_space<hbm>> -> memref<10240x64xf32, #tpu.memory_space<hbm>>
    tpu.enqueue_indirect_dma source(%dma_start3A_67 : memref<10240x64xf32, #tpu.memory_space<hbm>>) target(%arg12 : memref<128x64xf32, #tpu.memory_space<vmem>>) offsets(%dma_start3A_64 : memref<128xi32, #tpu.memory_space<vmem>>) semaphore(%arg21 : memref<!tpu.dma_semaphore, #tpu.memory_space<semaphore_mem>>)
    %dma_start3A_68 = arith.constant 5 : i32
    %dma_start3A_69 = arith.constant 0 : i32
    %dma_start3A_70 = tpu.memref_slice %arg6[%dma_start3A_68, %dma_start3A_69] : memref<80x128xi32, #tpu.memory_space<vmem>> -> memref<1x128xi32, #tpu.memory_space<vmem>>
    %dma_start3A_71 = tpu.memref_squeeze %dma_start3A_70 : memref<1x128xi32, #tpu.memory_space<vmem>> -> memref<128xi32, #tpu.memory_space<vmem>>
    %dma_start3A_72 = arith.constant 0 : i32
    %dma_start3A_73 = arith.constant 0 : i32
    %dma_start3A_74 = tpu.memref_slice %arg2[%dma_start3A_72, %dma_start3A_73] : memref<10240x64xf32, #tpu.memory_space<hbm>> -> memref<10240x64xf32, #tpu.memory_space<hbm>>
    tpu.enqueue_indirect_dma source(%dma_start3A_74 : memref<10240x64xf32, #tpu.memory_space<hbm>>) target(%arg13 : memref<128x64xf32, #tpu.memory_space<vmem>>) offsets(%dma_start3A_71 : memref<128xi32, #tpu.memory_space<vmem>>) semaphore(%arg22 : memref<!tpu.dma_semaphore, #tpu.memory_space<semaphore_mem>>)
    %dma_start3A_75 = arith.constant 6 : i32
    %dma_start3A_76 = arith.constant 0 : i32
    %dma_start3A_77 = tpu.memref_slice %arg6[%dma_start3A_75, %dma_start3A_76] : memref<80x128xi32, #tpu.memory_space<vmem>> -> memref<1x128xi32, #tpu.memory_space<vmem>>
    %dma_start3A_78 = tpu.memref_squeeze %dma_start3A_77 : memref<1x128xi32, #tpu.memory_space<vmem>> -> memref<128xi32, #tpu.memory_space<vmem>>
    %dma_start3A_79 = arith.constant 0 : i32
    %dma_start3A_80 = arith.constant 0 : i32
    %dma_start3A_81 = tpu.memref_slice %arg2[%dma_start3A_79, %dma_start3A_80] : memref<10240x64xf32, #tpu.memory_space<hbm>> -> memref<10240x64xf32, #tpu.memory_space<hbm>>
    tpu.enqueue_indirect_dma source(%dma_start3A_81 : memref<10240x64xf32, #tpu.memory_space<hbm>>) target(%arg14 : memref<128x64xf32, #tpu.memory_space<vmem>>) offsets(%dma_start3A_78 : memref<128xi32, #tpu.memory_space<vmem>>) semaphore(%arg23 : memref<!tpu.dma_semaphore, #tpu.memory_space<semaphore_mem>>)
    %dma_start3A_82 = arith.constant 7 : i32
    %dma_start3A_83 = arith.constant 0 : i32
    %dma_start3A_84 = tpu.memref_slice %arg6[%dma_start3A_82, %dma_start3A_83] : memref<80x128xi32, #tpu.memory_space<vmem>> -> memref<1x128xi32, #tpu.memory_space<vmem>>
    %dma_start3A_85 = tpu.memref_squeeze %dma_start3A_84 : memref<1x128xi32, #tpu.memory_space<vmem>> -> memref<128xi32, #tpu.memory_space<vmem>>
    %dma_start3A_86 = arith.constant 0 : i32
    %dma_start3A_87 = arith.constant 0 : i32
    %dma_start3A_88 = tpu.memref_slice %arg2[%dma_start3A_86, %dma_start3A_87] : memref<10240x64xf32, #tpu.memory_space<hbm>> -> memref<10240x64xf32, #tpu.memory_space<hbm>>
    tpu.enqueue_indirect_dma source(%dma_start3A_88 : memref<10240x64xf32, #tpu.memory_space<hbm>>) target(%arg15 : memref<128x64xf32, #tpu.memory_space<vmem>>) offsets(%dma_start3A_85 : memref<128xi32, #tpu.memory_space<vmem>>) semaphore(%arg24 : memref<!tpu.dma_semaphore, #tpu.memory_space<semaphore_mem>>)
    %scan3A = arith.constant 0 : i32
    %scan3A_89 = arith.constant 0 : i32
    %scan3A_90 = arith.constant 10 : i32
    %scan3A_91 = arith.addi %scan3A_89, %scan3A_90 : i32
    %scan3A_92 = arith.constant 1 : i32
    scf.for %scan3A_95 = %scan3A_89 to %scan3A_91 step %scan3A_92  : i32 {
      %mul3A_96 = arith.constant 8 : i32
      %mul3A_97 = arith.muli %mul3A_96, %scan3A_95 : i32
      %add3A_98 = arith.constant 0 : i32
      %add3A_99 = arith.addi %mul3A_97, %add3A_98 : i32
      %dma_wait3A_100 = arith.constant 0 : i32
      %dma_wait3A_101 = tpu.memref_slice %arg6[%add3A_99, %dma_wait3A_100] : memref<80x128xi32, #tpu.memory_space<vmem>> -> memref<1x128xi32, #tpu.memory_space<vmem>>
      %dma_wait3A_102 = tpu.memref_squeeze %dma_wait3A_101 : memref<1x128xi32, #tpu.memory_space<vmem>> -> memref<128xi32, #tpu.memory_space<vmem>>
      %dma_wait3A_103 = arith.constant 0 : i32
      %dma_wait3A_104 = arith.constant 0 : i32
      %dma_wait3A_105 = tpu.memref_slice %arg2[%dma_wait3A_103, %dma_wait3A_104] : memref<10240x64xf32, #tpu.memory_space<hbm>> -> memref<10240x64xf32, #tpu.memory_space<hbm>>
      tpu.wait_indirect_dma semaphore(%arg17 : memref<!tpu.dma_semaphore, #tpu.memory_space<semaphore_mem>>) src(%dma_wait3A_105 : memref<10240x64xf32, #tpu.memory_space<hbm>>) dst(%arg8 : memref<128x64xf32, #tpu.memory_space<vmem>>)
      %add3A_106 = arith.constant 0 : i32
      %add3A_107 = arith.addi %mul3A_97, %add3A_106 : i32
      %dma_start3A_108 = arith.constant 0 : i32
      %dma_start3A_109 = tpu.memref_slice %arg7[%add3A_107, %dma_start3A_108] : memref<80x128xi32, #tpu.memory_space<vmem>> -> memref<1x128xi32, #tpu.memory_space<vmem>>
      %dma_start3A_110 = tpu.memref_squeeze %dma_start3A_109 : memref<1x128xi32, #tpu.memory_space<vmem>> -> memref<128xi32, #tpu.memory_space<vmem>>
      %dma_start3A_111 = arith.constant 0 : i32
      %dma_start3A_112 = arith.constant 0 : i32
      %dma_start3A_113 = tpu.memref_slice %arg16[%dma_start3A_111, %dma_start3A_112] : memref<10240x64xf32, #tpu.memory_space<vmem_shared>> -> memref<10240x64xf32, #tpu.memory_space<vmem_shared>>
      tpu.enqueue_indirect_dma source(%arg8 : memref<128x64xf32, #tpu.memory_space<vmem>>) target(%dma_start3A_113 : memref<10240x64xf32, #tpu.memory_space<vmem_shared>>) offsets(%dma_start3A_110 : memref<128xi32, #tpu.memory_space<vmem>>) semaphore(%arg17 : memref<!tpu.dma_semaphore, #tpu.memory_space<semaphore_mem>>) {add = true}
      %add3A_114 = arith.constant 1 : i32
      %add3A_115 = arith.addi %mul3A_97, %add3A_114 : i32
      %dma_wait3A_116 = arith.constant 0 : i32
      %dma_wait3A_117 = tpu.memref_slice %arg6[%add3A_115, %dma_wait3A_116] : memref<80x128xi32, #tpu.memory_space<vmem>> -> memref<1x128xi32, #tpu.memory_space<vmem>>
      %dma_wait3A_118 = tpu.memref_squeeze %dma_wait3A_117 : memref<1x128xi32, #tpu.memory_space<vmem>> -> memref<128xi32, #tpu.memory_space<vmem>>
      %dma_wait3A_119 = arith.constant 0 : i32
      %dma_wait3A_120 = arith.constant 0 : i32
      %dma_wait3A_121 = tpu.memref_slice %arg2[%dma_wait3A_119, %dma_wait3A_120] : memref<10240x64xf32, #tpu.memory_space<hbm>> -> memref<10240x64xf32, #tpu.memory_space<hbm>>
      tpu.wait_indirect_dma semaphore(%arg18 : memref<!tpu.dma_semaphore, #tpu.memory_space<semaphore_mem>>) src(%dma_wait3A_121 : memref<10240x64xf32, #tpu.memory_space<hbm>>) dst(%arg9 : memref<128x64xf32, #tpu.memory_space<vmem>>)
      %add3A_122 = arith.constant 1 : i32
      %add3A_123 = arith.addi %mul3A_97, %add3A_122 : i32
      %dma_start3A_124 = arith.constant 0 : i32
      %dma_start3A_125 = tpu.memref_slice %arg7[%add3A_123, %dma_start3A_124] : memref<80x128xi32, #tpu.memory_space<vmem>> -> memref<1x128xi32, #tpu.memory_space<vmem>>
      %dma_start3A_126 = tpu.memref_squeeze %dma_start3A_125 : memref<1x128xi32, #tpu.memory_space<vmem>> -> memref<128xi32, #tpu.memory_space<vmem>>
      %dma_start3A_127 = arith.constant 0 : i32
      %dma_start3A_128 = arith.constant 0 : i32
      %dma_start3A_129 = tpu.memref_slice %arg16[%dma_start3A_127, %dma_start3A_128] : memref<10240x64xf32, #tpu.memory_space<vmem_shared>> -> memref<10240x64xf32, #tpu.memory_space<vmem_shared>>
      tpu.enqueue_indirect_dma source(%arg9 : memref<128x64xf32, #tpu.memory_space<vmem>>) target(%dma_start3A_129 : memref<10240x64xf32, #tpu.memory_space<vmem_shared>>) offsets(%dma_start3A_126 : memref<128xi32, #tpu.memory_space<vmem>>) semaphore(%arg18 : memref<!tpu.dma_semaphore, #tpu.memory_space<semaphore_mem>>) {add = true}
      %add3A_130 = arith.constant 2 : i32
      %add3A_131 = arith.addi %mul3A_97, %add3A_130 : i32
      %dma_wait3A_132 = arith.constant 0 : i32
      %dma_wait3A_133 = tpu.memref_slice %arg6[%add3A_131, %dma_wait3A_132] : memref<80x128xi32, #tpu.memory_space<vmem>> -> memref<1x128xi32, #tpu.memory_space<vmem>>
      %dma_wait3A_134 = tpu.memref_squeeze %dma_wait3A_133 : memref<1x128xi32, #tpu.memory_space<vmem>> -> memref<128xi32, #tpu.memory_space<vmem>>
      %dma_wait3A_135 = arith.constant 0 : i32
      %dma_wait3A_136 = arith.constant 0 : i32
      %dma_wait3A_137 = tpu.memref_slice %arg2[%dma_wait3A_135, %dma_wait3A_136] : memref<10240x64xf32, #tpu.memory_space<hbm>> -> memref<10240x64xf32, #tpu.memory_space<hbm>>
      tpu.wait_indirect_dma semaphore(%arg19 : memref<!tpu.dma_semaphore, #tpu.memory_space<semaphore_mem>>) src(%dma_wait3A_137 : memref<10240x64xf32, #tpu.memory_space<hbm>>) dst(%arg10 : memref<128x64xf32, #tpu.memory_space<vmem>>)
      %add3A_138 = arith.constant 2 : i32
      %add3A_139 = arith.addi %mul3A_97, %add3A_138 : i32
      %dma_start3A_140 = arith.constant 0 : i32
      %dma_start3A_141 = tpu.memref_slice %arg7[%add3A_139, %dma_start3A_140] : memref<80x128xi32, #tpu.memory_space<vmem>> -> memref<1x128xi32, #tpu.memory_space<vmem>>
      %dma_start3A_142 = tpu.memref_squeeze %dma_start3A_141 : memref<1x128xi32, #tpu.memory_space<vmem>> -> memref<128xi32, #tpu.memory_space<vmem>>
      %dma_start3A_143 = arith.constant 0 : i32
      %dma_start3A_144 = arith.constant 0 : i32
      %dma_start3A_145 = tpu.memref_slice %arg16[%dma_start3A_143, %dma_start3A_144] : memref<10240x64xf32, #tpu.memory_space<vmem_shared>> -> memref<10240x64xf32, #tpu.memory_space<vmem_shared>>
      tpu.enqueue_indirect_dma source(%arg10 : memref<128x64xf32, #tpu.memory_space<vmem>>) target(%dma_start3A_145 : memref<10240x64xf32, #tpu.memory_space<vmem_shared>>) offsets(%dma_start3A_142 : memref<128xi32, #tpu.memory_space<vmem>>) semaphore(%arg19 : memref<!tpu.dma_semaphore, #tpu.memory_space<semaphore_mem>>) {add = true}
      %add3A_146 = arith.constant 3 : i32
      %add3A_147 = arith.addi %mul3A_97, %add3A_146 : i32
      %dma_wait3A_148 = arith.constant 0 : i32
      %dma_wait3A_149 = tpu.memref_slice %arg6[%add3A_147, %dma_wait3A_148] : memref<80x128xi32, #tpu.memory_space<vmem>> -> memref<1x128xi32, #tpu.memory_space<vmem>>
      %dma_wait3A_150 = tpu.memref_squeeze %dma_wait3A_149 : memref<1x128xi32, #tpu.memory_space<vmem>> -> memref<128xi32, #tpu.memory_space<vmem>>
      %dma_wait3A_151 = arith.constant 0 : i32
      %dma_wait3A_152 = arith.constant 0 : i32
      %dma_wait3A_153 = tpu.memref_slice %arg2[%dma_wait3A_151, %dma_wait3A_152] : memref<10240x64xf32, #tpu.memory_space<hbm>> -> memref<10240x64xf32, #tpu.memory_space<hbm>>
      tpu.wait_indirect_dma semaphore(%arg20 : memref<!tpu.dma_semaphore, #tpu.memory_space<semaphore_mem>>) src(%dma_wait3A_153 : memref<10240x64xf32, #tpu.memory_space<hbm>>) dst(%arg11 : memref<128x64xf32, #tpu.memory_space<vmem>>)
      %add3A_154 = arith.constant 3 : i32
      %add3A_155 = arith.addi %mul3A_97, %add3A_154 : i32
      %dma_start3A_156 = arith.constant 0 : i32
      %dma_start3A_157 = tpu.memref_slice %arg7[%add3A_155, %dma_start3A_156] : memref<80x128xi32, #tpu.memory_space<vmem>> -> memref<1x128xi32, #tpu.memory_space<vmem>>
      %dma_start3A_158 = tpu.memref_squeeze %dma_start3A_157 : memref<1x128xi32, #tpu.memory_space<vmem>> -> memref<128xi32, #tpu.memory_space<vmem>>
      %dma_start3A_159 = arith.constant 0 : i32
      %dma_start3A_160 = arith.constant 0 : i32
      %dma_start3A_161 = tpu.memref_slice %arg16[%dma_start3A_159, %dma_start3A_160] : memref<10240x64xf32, #tpu.memory_space<vmem_shared>> -> memref<10240x64xf32, #tpu.memory_space<vmem_shared>>
      tpu.enqueue_indirect_dma source(%arg11 : memref<128x64xf32, #tpu.memory_space<vmem>>) target(%dma_start3A_161 : memref<10240x64xf32, #tpu.memory_space<vmem_shared>>) offsets(%dma_start3A_158 : memref<128xi32, #tpu.memory_space<vmem>>) semaphore(%arg20 : memref<!tpu.dma_semaphore, #tpu.memory_space<semaphore_mem>>) {add = true}
      %add3A_162 = arith.constant 4 : i32
      %add3A_163 = arith.addi %mul3A_97, %add3A_162 : i32
      %dma_wait3A_164 = arith.constant 0 : i32
      %dma_wait3A_165 = tpu.memref_slice %arg6[%add3A_163, %dma_wait3A_164] : memref<80x128xi32, #tpu.memory_space<vmem>> -> memref<1x128xi32, #tpu.memory_space<vmem>>
      %dma_wait3A_166 = tpu.memref_squeeze %dma_wait3A_165 : memref<1x128xi32, #tpu.memory_space<vmem>> -> memref<128xi32, #tpu.memory_space<vmem>>
      %dma_wait3A_167 = arith.constant 0 : i32
      %dma_wait3A_168 = arith.constant 0 : i32
      %dma_wait3A_169 = tpu.memref_slice %arg2[%dma_wait3A_167, %dma_wait3A_168] : memref<10240x64xf32, #tpu.memory_space<hbm>> -> memref<10240x64xf32, #tpu.memory_space<hbm>>
      tpu.wait_indirect_dma semaphore(%arg21 : memref<!tpu.dma_semaphore, #tpu.memory_space<semaphore_mem>>) src(%dma_wait3A_169 : memref<10240x64xf32, #tpu.memory_space<hbm>>) dst(%arg12 : memref<128x64xf32, #tpu.memory_space<vmem>>)
      %add3A_170 = arith.constant 4 : i32
      %add3A_171 = arith.addi %mul3A_97, %add3A_170 : i32
      %dma_start3A_172 = arith.constant 0 : i32
      %dma_start3A_173 = tpu.memref_slice %arg7[%add3A_171, %dma_start3A_172] : memref<80x128xi32, #tpu.memory_space<vmem>> -> memref<1x128xi32, #tpu.memory_space<vmem>>
      %dma_start3A_174 = tpu.memref_squeeze %dma_start3A_173 : memref<1x128xi32, #tpu.memory_space<vmem>> -> memref<128xi32, #tpu.memory_space<vmem>>
      %dma_start3A_175 = arith.constant 0 : i32
      %dma_start3A_176 = arith.constant 0 : i32
      %dma_start3A_177 = tpu.memref_slice %arg16[%dma_start3A_175, %dma_start3A_176] : memref<10240x64xf32, #tpu.memory_space<vmem_shared>> -> memref<10240x64xf32, #tpu.memory_space<vmem_shared>>
      tpu.enqueue_indirect_dma source(%arg12 : memref<128x64xf32, #tpu.memory_space<vmem>>) target(%dma_start3A_177 : memref<10240x64xf32, #tpu.memory_space<vmem_shared>>) offsets(%dma_start3A_174 : memref<128xi32, #tpu.memory_space<vmem>>) semaphore(%arg21 : memref<!tpu.dma_semaphore, #tpu.memory_space<semaphore_mem>>) {add = true}
      %add3A_178 = arith.constant 5 : i32
      %add3A_179 = arith.addi %mul3A_97, %add3A_178 : i32
      %dma_wait3A_180 = arith.constant 0 : i32
      %dma_wait3A_181 = tpu.memref_slice %arg6[%add3A_179, %dma_wait3A_180] : memref<80x128xi32, #tpu.memory_space<vmem>> -> memref<1x128xi32, #tpu.memory_space<vmem>>
      %dma_wait3A_182 = tpu.memref_squeeze %dma_wait3A_181 : memref<1x128xi32, #tpu.memory_space<vmem>> -> memref<128xi32, #tpu.memory_space<vmem>>
      %dma_wait3A_183 = arith.constant 0 : i32
      %dma_wait3A_184 = arith.constant 0 : i32
      %dma_wait3A_185 = tpu.memref_slice %arg2[%dma_wait3A_183, %dma_wait3A_184] : memref<10240x64xf32, #tpu.memory_space<hbm>> -> memref<10240x64xf32, #tpu.memory_space<hbm>>
      tpu.wait_indirect_dma semaphore(%arg22 : memref<!tpu.dma_semaphore, #tpu.memory_space<semaphore_mem>>) src(%dma_wait3A_185 : memref<10240x64xf32, #tpu.memory_space<hbm>>) dst(%arg13 : memref<128x64xf32, #tpu.memory_space<vmem>>)
      %add3A_186 = arith.constant 5 : i32
      %add3A_187 = arith.addi %mul3A_97, %add3A_186 : i32
      %dma_start3A_188 = arith.constant 0 : i32
      %dma_start3A_189 = tpu.memref_slice %arg7[%add3A_187, %dma_start3A_188] : memref<80x128xi32, #tpu.memory_space<vmem>> -> memref<1x128xi32, #tpu.memory_space<vmem>>
      %dma_start3A_190 = tpu.memref_squeeze %dma_start3A_189 : memref<1x128xi32, #tpu.memory_space<vmem>> -> memref<128xi32, #tpu.memory_space<vmem>>
      %dma_start3A_191 = arith.constant 0 : i32
      %dma_start3A_192 = arith.constant 0 : i32
      %dma_start3A_193 = tpu.memref_slice %arg16[%dma_start3A_191, %dma_start3A_192] : memref<10240x64xf32, #tpu.memory_space<vmem_shared>> -> memref<10240x64xf32, #tpu.memory_space<vmem_shared>>
      tpu.enqueue_indirect_dma source(%arg13 : memref<128x64xf32, #tpu.memory_space<vmem>>) target(%dma_start3A_193 : memref<10240x64xf32, #tpu.memory_space<vmem_shared>>) offsets(%dma_start3A_190 : memref<128xi32, #tpu.memory_space<vmem>>) semaphore(%arg22 : memref<!tpu.dma_semaphore, #tpu.memory_space<semaphore_mem>>) {add = true}
      %add3A_194 = arith.constant 6 : i32
      %add3A_195 = arith.addi %mul3A_97, %add3A_194 : i32
      %dma_wait3A_196 = arith.constant 0 : i32
      %dma_wait3A_197 = tpu.memref_slice %arg6[%add3A_195, %dma_wait3A_196] : memref<80x128xi32, #tpu.memory_space<vmem>> -> memref<1x128xi32, #tpu.memory_space<vmem>>
      %dma_wait3A_198 = tpu.memref_squeeze %dma_wait3A_197 : memref<1x128xi32, #tpu.memory_space<vmem>> -> memref<128xi32, #tpu.memory_space<vmem>>
      %dma_wait3A_199 = arith.constant 0 : i32
      %dma_wait3A_200 = arith.constant 0 : i32
      %dma_wait3A_201 = tpu.memref_slice %arg2[%dma_wait3A_199, %dma_wait3A_200] : memref<10240x64xf32, #tpu.memory_space<hbm>> -> memref<10240x64xf32, #tpu.memory_space<hbm>>
      tpu.wait_indirect_dma semaphore(%arg23 : memref<!tpu.dma_semaphore, #tpu.memory_space<semaphore_mem>>) src(%dma_wait3A_201 : memref<10240x64xf32, #tpu.memory_space<hbm>>) dst(%arg14 : memref<128x64xf32, #tpu.memory_space<vmem>>)
      %add3A_202 = arith.constant 6 : i32
      %add3A_203 = arith.addi %mul3A_97, %add3A_202 : i32
      %dma_start3A_204 = arith.constant 0 : i32
      %dma_start3A_205 = tpu.memref_slice %arg7[%add3A_203, %dma_start3A_204] : memref<80x128xi32, #tpu.memory_space<vmem>> -> memref<1x128xi32, #tpu.memory_space<vmem>>
      %dma_start3A_206 = tpu.memref_squeeze %dma_start3A_205 : memref<1x128xi32, #tpu.memory_space<vmem>> -> memref<128xi32, #tpu.memory_space<vmem>>
      %dma_start3A_207 = arith.constant 0 : i32
      %dma_start3A_208 = arith.constant 0 : i32
      %dma_start3A_209 = tpu.memref_slice %arg16[%dma_start3A_207, %dma_start3A_208] : memref<10240x64xf32, #tpu.memory_space<vmem_shared>> -> memref<10240x64xf32, #tpu.memory_space<vmem_shared>>
      tpu.enqueue_indirect_dma source(%arg14 : memref<128x64xf32, #tpu.memory_space<vmem>>) target(%dma_start3A_209 : memref<10240x64xf32, #tpu.memory_space<vmem_shared>>) offsets(%dma_start3A_206 : memref<128xi32, #tpu.memory_space<vmem>>) semaphore(%arg23 : memref<!tpu.dma_semaphore, #tpu.memory_space<semaphore_mem>>) {add = true}
      %add3A_210 = arith.constant 7 : i32
      %add3A_211 = arith.addi %mul3A_97, %add3A_210 : i32
      %dma_wait3A_212 = arith.constant 0 : i32
      %dma_wait3A_213 = tpu.memref_slice %arg6[%add3A_211, %dma_wait3A_212] : memref<80x128xi32, #tpu.memory_space<vmem>> -> memref<1x128xi32, #tpu.memory_space<vmem>>
      %dma_wait3A_214 = tpu.memref_squeeze %dma_wait3A_213 : memref<1x128xi32, #tpu.memory_space<vmem>> -> memref<128xi32, #tpu.memory_space<vmem>>
      %dma_wait3A_215 = arith.constant 0 : i32
      %dma_wait3A_216 = arith.constant 0 : i32
      %dma_wait3A_217 = tpu.memref_slice %arg2[%dma_wait3A_215, %dma_wait3A_216] : memref<10240x64xf32, #tpu.memory_space<hbm>> -> memref<10240x64xf32, #tpu.memory_space<hbm>>
      tpu.wait_indirect_dma semaphore(%arg24 : memref<!tpu.dma_semaphore, #tpu.memory_space<semaphore_mem>>) src(%dma_wait3A_217 : memref<10240x64xf32, #tpu.memory_space<hbm>>) dst(%arg15 : memref<128x64xf32, #tpu.memory_space<vmem>>)
      %add3A_218 = arith.constant 7 : i32
      %add3A_219 = arith.addi %mul3A_97, %add3A_218 : i32
      %dma_start3A_220 = arith.constant 0 : i32
      %dma_start3A_221 = tpu.memref_slice %arg7[%add3A_219, %dma_start3A_220] : memref<80x128xi32, #tpu.memory_space<vmem>> -> memref<1x128xi32, #tpu.memory_space<vmem>>
      %dma_start3A_222 = tpu.memref_squeeze %dma_start3A_221 : memref<1x128xi32, #tpu.memory_space<vmem>> -> memref<128xi32, #tpu.memory_space<vmem>>
      %dma_start3A_223 = arith.constant 0 : i32
      %dma_start3A_224 = arith.constant 0 : i32
      %dma_start3A_225 = tpu.memref_slice %arg16[%dma_start3A_223, %dma_start3A_224] : memref<10240x64xf32, #tpu.memory_space<vmem_shared>> -> memref<10240x64xf32, #tpu.memory_space<vmem_shared>>
      tpu.enqueue_indirect_dma source(%arg15 : memref<128x64xf32, #tpu.memory_space<vmem>>) target(%dma_start3A_225 : memref<10240x64xf32, #tpu.memory_space<vmem_shared>>) offsets(%dma_start3A_222 : memref<128xi32, #tpu.memory_space<vmem>>) semaphore(%arg24 : memref<!tpu.dma_semaphore, #tpu.memory_space<semaphore_mem>>) {add = true}
      %add3A_226 = arith.constant 0 : i32
      %add3A_227 = arith.addi %mul3A_97, %add3A_226 : i32
      %dma_wait3A_228 = arith.constant 0 : i32
      %dma_wait3A_229 = tpu.memref_slice %arg7[%add3A_227, %dma_wait3A_228] : memref<80x128xi32, #tpu.memory_space<vmem>> -> memref<1x128xi32, #tpu.memory_space<vmem>>
      %dma_wait3A_230 = tpu.memref_squeeze %dma_wait3A_229 : memref<1x128xi32, #tpu.memory_space<vmem>> -> memref<128xi32, #tpu.memory_space<vmem>>
      %dma_wait3A_231 = arith.constant 0 : i32
      %dma_wait3A_232 = arith.constant 0 : i32
      %dma_wait3A_233 = tpu.memref_slice %arg16[%dma_wait3A_231, %dma_wait3A_232] : memref<10240x64xf32, #tpu.memory_space<vmem_shared>> -> memref<10240x64xf32, #tpu.memory_space<vmem_shared>>
      tpu.wait_indirect_dma semaphore(%arg17 : memref<!tpu.dma_semaphore, #tpu.memory_space<semaphore_mem>>) src(%arg8 : memref<128x64xf32, #tpu.memory_space<vmem>>) dst(%dma_wait3A_233 : memref<10240x64xf32, #tpu.memory_space<vmem_shared>>)
      %add3A_234 = arith.constant 0 : i32
      %add3A_235 = arith.addi %mul3A_97, %add3A_234 : i32
      %add3A_236 = arith.constant 8 : i32
      %add3A_237 = arith.addi %add3A_235, %add3A_236 : i32
      %lt3A = arith.constant 80 : i32
      %lt3A_238 = arith.cmpi slt, %add3A_237, %lt3A : i32
      %convert_element_type3A = arith.extui %lt3A_238 : i1 to i32
      %cond3A = arith.constant 0 : i32
      %cond3A_239 = arith.cmpi ne, %convert_element_type3A, %cond3A : i32
      scf.if %cond3A_239 {
        %add3A_359 = arith.constant 0 : i32
        %add3A_360 = arith.addi %mul3A_97, %add3A_359 : i32
        %add3A_361 = arith.constant 8 : i32
        %add3A_362 = arith.addi %add3A_360, %add3A_361 : i32
        %dma_start3A_363 = arith.constant 0 : i32
        %dma_start3A_364 = tpu.memref_slice %arg6[%add3A_362, %dma_start3A_363] : memref<80x128xi32, #tpu.memory_space<vmem>> -> memref<1x128xi32, #tpu.memory_space<vmem>>
        %dma_start3A_365 = tpu.memref_squeeze %dma_start3A_364 : memref<1x128xi32, #tpu.memory_space<vmem>> -> memref<128xi32, #tpu.memory_space<vmem>>
        %dma_start3A_366 = arith.constant 0 : i32
        %dma_start3A_367 = arith.constant 0 : i32
        %dma_start3A_368 = tpu.memref_slice %arg2[%dma_start3A_366, %dma_start3A_367] : memref<10240x64xf32, #tpu.memory_space<hbm>> -> memref<10240x64xf32, #tpu.memory_space<hbm>>
        tpu.enqueue_indirect_dma source(%dma_start3A_368 : memref<10240x64xf32, #tpu.memory_space<hbm>>) target(%arg8 : memref<128x64xf32, #tpu.memory_space<vmem>>) offsets(%dma_start3A_365 : memref<128xi32, #tpu.memory_space<vmem>>) semaphore(%arg17 : memref<!tpu.dma_semaphore, #tpu.memory_space<semaphore_mem>>)
      } else {
      }
      %add3A_240 = arith.constant 1 : i32
      %add3A_241 = arith.addi %mul3A_97, %add3A_240 : i32
      %dma_wait3A_242 = arith.constant 0 : i32
      %dma_wait3A_243 = tpu.memref_slice %arg7[%add3A_241, %dma_wait3A_242] : memref<80x128xi32, #tpu.memory_space<vmem>> -> memref<1x128xi32, #tpu.memory_space<vmem>>
      %dma_wait3A_244 = tpu.memref_squeeze %dma_wait3A_243 : memref<1x128xi32, #tpu.memory_space<vmem>> -> memref<128xi32, #tpu.memory_space<vmem>>
      %dma_wait3A_245 = arith.constant 0 : i32
      %dma_wait3A_246 = arith.constant 0 : i32
      %dma_wait3A_247 = tpu.memref_slice %arg16[%dma_wait3A_245, %dma_wait3A_246] : memref<10240x64xf32, #tpu.memory_space<vmem_shared>> -> memref<10240x64xf32, #tpu.memory_space<vmem_shared>>
      tpu.wait_indirect_dma semaphore(%arg18 : memref<!tpu.dma_semaphore, #tpu.memory_space<semaphore_mem>>) src(%arg9 : memref<128x64xf32, #tpu.memory_space<vmem>>) dst(%dma_wait3A_247 : memref<10240x64xf32, #tpu.memory_space<vmem_shared>>)
      %add3A_248 = arith.constant 1 : i32
      %add3A_249 = arith.addi %mul3A_97, %add3A_248 : i32
      %add3A_250 = arith.constant 8 : i32
      %add3A_251 = arith.addi %add3A_249, %add3A_250 : i32
      %lt3A_252 = arith.constant 80 : i32
      %lt3A_253 = arith.cmpi slt, %add3A_251, %lt3A_252 : i32
      %convert_element_type3A_254 = arith.extui %lt3A_253 : i1 to i32
      %cond3A_255 = arith.constant 0 : i32
      %cond3A_256 = arith.cmpi ne, %convert_element_type3A_254, %cond3A_255 : i32
      scf.if %cond3A_256 {
        %add3A_359 = arith.constant 1 : i32
        %add3A_360 = arith.addi %mul3A_97, %add3A_359 : i32
        %add3A_361 = arith.constant 8 : i32
        %add3A_362 = arith.addi %add3A_360, %add3A_361 : i32
        %dma_start3A_363 = arith.constant 0 : i32
        %dma_start3A_364 = tpu.memref_slice %arg6[%add3A_362, %dma_start3A_363] : memref<80x128xi32, #tpu.memory_space<vmem>> -> memref<1x128xi32, #tpu.memory_space<vmem>>
        %dma_start3A_365 = tpu.memref_squeeze %dma_start3A_364 : memref<1x128xi32, #tpu.memory_space<vmem>> -> memref<128xi32, #tpu.memory_space<vmem>>
        %dma_start3A_366 = arith.constant 0 : i32
        %dma_start3A_367 = arith.constant 0 : i32
        %dma_start3A_368 = tpu.memref_slice %arg2[%dma_start3A_366, %dma_start3A_367] : memref<10240x64xf32, #tpu.memory_space<hbm>> -> memref<10240x64xf32, #tpu.memory_space<hbm>>
        tpu.enqueue_indirect_dma source(%dma_start3A_368 : memref<10240x64xf32, #tpu.memory_space<hbm>>) target(%arg9 : memref<128x64xf32, #tpu.memory_space<vmem>>) offsets(%dma_start3A_365 : memref<128xi32, #tpu.memory_space<vmem>>) semaphore(%arg18 : memref<!tpu.dma_semaphore, #tpu.memory_space<semaphore_mem>>)
      } else {
      }
      %add3A_257 = arith.constant 2 : i32
      %add3A_258 = arith.addi %mul3A_97, %add3A_257 : i32
      %dma_wait3A_259 = arith.constant 0 : i32
      %dma_wait3A_260 = tpu.memref_slice %arg7[%add3A_258, %dma_wait3A_259] : memref<80x128xi32, #tpu.memory_space<vmem>> -> memref<1x128xi32, #tpu.memory_space<vmem>>
      %dma_wait3A_261 = tpu.memref_squeeze %dma_wait3A_260 : memref<1x128xi32, #tpu.memory_space<vmem>> -> memref<128xi32, #tpu.memory_space<vmem>>
      %dma_wait3A_262 = arith.constant 0 : i32
      %dma_wait3A_263 = arith.constant 0 : i32
      %dma_wait3A_264 = tpu.memref_slice %arg16[%dma_wait3A_262, %dma_wait3A_263] : memref<10240x64xf32, #tpu.memory_space<vmem_shared>> -> memref<10240x64xf32, #tpu.memory_space<vmem_shared>>
      tpu.wait_indirect_dma semaphore(%arg19 : memref<!tpu.dma_semaphore, #tpu.memory_space<semaphore_mem>>) src(%arg10 : memref<128x64xf32, #tpu.memory_space<vmem>>) dst(%dma_wait3A_264 : memref<10240x64xf32, #tpu.memory_space<vmem_shared>>)
      %add3A_265 = arith.constant 2 : i32
      %add3A_266 = arith.addi %mul3A_97, %add3A_265 : i32
      %add3A_267 = arith.constant 8 : i32
      %add3A_268 = arith.addi %add3A_266, %add3A_267 : i32
      %lt3A_269 = arith.constant 80 : i32
      %lt3A_270 = arith.cmpi slt, %add3A_268, %lt3A_269 : i32
      %convert_element_type3A_271 = arith.extui %lt3A_270 : i1 to i32
      %cond3A_272 = arith.constant 0 : i32
      %cond3A_273 = arith.cmpi ne, %convert_element_type3A_271, %cond3A_272 : i32
      scf.if %cond3A_273 {
        %add3A_359 = arith.constant 2 : i32
        %add3A_360 = arith.addi %mul3A_97, %add3A_359 : i32
        %add3A_361 = arith.constant 8 : i32
        %add3A_362 = arith.addi %add3A_360, %add3A_361 : i32
        %dma_start3A_363 = arith.constant 0 : i32
        %dma_start3A_364 = tpu.memref_slice %arg6[%add3A_362, %dma_start3A_363] : memref<80x128xi32, #tpu.memory_space<vmem>> -> memref<1x128xi32, #tpu.memory_space<vmem>>
        %dma_start3A_365 = tpu.memref_squeeze %dma_start3A_364 : memref<1x128xi32, #tpu.memory_space<vmem>> -> memref<128xi32, #tpu.memory_space<vmem>>
        %dma_start3A_366 = arith.constant 0 : i32
        %dma_start3A_367 = arith.constant 0 : i32
        %dma_start3A_368 = tpu.memref_slice %arg2[%dma_start3A_366, %dma_start3A_367] : memref<10240x64xf32, #tpu.memory_space<hbm>> -> memref<10240x64xf32, #tpu.memory_space<hbm>>
        tpu.enqueue_indirect_dma source(%dma_start3A_368 : memref<10240x64xf32, #tpu.memory_space<hbm>>) target(%arg10 : memref<128x64xf32, #tpu.memory_space<vmem>>) offsets(%dma_start3A_365 : memref<128xi32, #tpu.memory_space<vmem>>) semaphore(%arg19 : memref<!tpu.dma_semaphore, #tpu.memory_space<semaphore_mem>>)
      } else {
      }
      %add3A_274 = arith.constant 3 : i32
      %add3A_275 = arith.addi %mul3A_97, %add3A_274 : i32
      %dma_wait3A_276 = arith.constant 0 : i32
      %dma_wait3A_277 = tpu.memref_slice %arg7[%add3A_275, %dma_wait3A_276] : memref<80x128xi32, #tpu.memory_space<vmem>> -> memref<1x128xi32, #tpu.memory_space<vmem>>
      %dma_wait3A_278 = tpu.memref_squeeze %dma_wait3A_277 : memref<1x128xi32, #tpu.memory_space<vmem>> -> memref<128xi32, #tpu.memory_space<vmem>>
      %dma_wait3A_279 = arith.constant 0 : i32
      %dma_wait3A_280 = arith.constant 0 : i32
      %dma_wait3A_281 = tpu.memref_slice %arg16[%dma_wait3A_279, %dma_wait3A_280] : memref<10240x64xf32, #tpu.memory_space<vmem_shared>> -> memref<10240x64xf32, #tpu.memory_space<vmem_shared>>
      tpu.wait_indirect_dma semaphore(%arg20 : memref<!tpu.dma_semaphore, #tpu.memory_space<semaphore_mem>>) src(%arg11 : memref<128x64xf32, #tpu.memory_space<vmem>>) dst(%dma_wait3A_281 : memref<10240x64xf32, #tpu.memory_space<vmem_shared>>)
      %add3A_282 = arith.constant 3 : i32
      %add3A_283 = arith.addi %mul3A_97, %add3A_282 : i32
      %add3A_284 = arith.constant 8 : i32
      %add3A_285 = arith.addi %add3A_283, %add3A_284 : i32
      %lt3A_286 = arith.constant 80 : i32
      %lt3A_287 = arith.cmpi slt, %add3A_285, %lt3A_286 : i32
      %convert_element_type3A_288 = arith.extui %lt3A_287 : i1 to i32
      %cond3A_289 = arith.constant 0 : i32
      %cond3A_290 = arith.cmpi ne, %convert_element_type3A_288, %cond3A_289 : i32
      scf.if %cond3A_290 {
        %add3A_359 = arith.constant 3 : i32
        %add3A_360 = arith.addi %mul3A_97, %add3A_359 : i32
        %add3A_361 = arith.constant 8 : i32
        %add3A_362 = arith.addi %add3A_360, %add3A_361 : i32
        %dma_start3A_363 = arith.constant 0 : i32
        %dma_start3A_364 = tpu.memref_slice %arg6[%add3A_362, %dma_start3A_363] : memref<80x128xi32, #tpu.memory_space<vmem>> -> memref<1x128xi32, #tpu.memory_space<vmem>>
        %dma_start3A_365 = tpu.memref_squeeze %dma_start3A_364 : memref<1x128xi32, #tpu.memory_space<vmem>> -> memref<128xi32, #tpu.memory_space<vmem>>
        %dma_start3A_366 = arith.constant 0 : i32
        %dma_start3A_367 = arith.constant 0 : i32
        %dma_start3A_368 = tpu.memref_slice %arg2[%dma_start3A_366, %dma_start3A_367] : memref<10240x64xf32, #tpu.memory_space<hbm>> -> memref<10240x64xf32, #tpu.memory_space<hbm>>
        tpu.enqueue_indirect_dma source(%dma_start3A_368 : memref<10240x64xf32, #tpu.memory_space<hbm>>) target(%arg11 : memref<128x64xf32, #tpu.memory_space<vmem>>) offsets(%dma_start3A_365 : memref<128xi32, #tpu.memory_space<vmem>>) semaphore(%arg20 : memref<!tpu.dma_semaphore, #tpu.memory_space<semaphore_mem>>)
      } else {
      }
      %add3A_291 = arith.constant 4 : i32
      %add3A_292 = arith.addi %mul3A_97, %add3A_291 : i32
      %dma_wait3A_293 = arith.constant 0 : i32
      %dma_wait3A_294 = tpu.memref_slice %arg7[%add3A_292, %dma_wait3A_293] : memref<80x128xi32, #tpu.memory_space<vmem>> -> memref<1x128xi32, #tpu.memory_space<vmem>>
      %dma_wait3A_295 = tpu.memref_squeeze %dma_wait3A_294 : memref<1x128xi32, #tpu.memory_space<vmem>> -> memref<128xi32, #tpu.memory_space<vmem>>
      %dma_wait3A_296 = arith.constant 0 : i32
      %dma_wait3A_297 = arith.constant 0 : i32
      %dma_wait3A_298 = tpu.memref_slice %arg16[%dma_wait3A_296, %dma_wait3A_297] : memref<10240x64xf32, #tpu.memory_space<vmem_shared>> -> memref<10240x64xf32, #tpu.memory_space<vmem_shared>>
      tpu.wait_indirect_dma semaphore(%arg21 : memref<!tpu.dma_semaphore, #tpu.memory_space<semaphore_mem>>) src(%arg12 : memref<128x64xf32, #tpu.memory_space<vmem>>) dst(%dma_wait3A_298 : memref<10240x64xf32, #tpu.memory_space<vmem_shared>>)
      %add3A_299 = arith.constant 4 : i32
      %add3A_300 = arith.addi %mul3A_97, %add3A_299 : i32
      %add3A_301 = arith.constant 8 : i32
      %add3A_302 = arith.addi %add3A_300, %add3A_301 : i32
      %lt3A_303 = arith.constant 80 : i32
      %lt3A_304 = arith.cmpi slt, %add3A_302, %lt3A_303 : i32
      %convert_element_type3A_305 = arith.extui %lt3A_304 : i1 to i32
      %cond3A_306 = arith.constant 0 : i32
      %cond3A_307 = arith.cmpi ne, %convert_element_type3A_305, %cond3A_306 : i32
      scf.if %cond3A_307 {
        %add3A_359 = arith.constant 4 : i32
        %add3A_360 = arith.addi %mul3A_97, %add3A_359 : i32
        %add3A_361 = arith.constant 8 : i32
        %add3A_362 = arith.addi %add3A_360, %add3A_361 : i32
        %dma_start3A_363 = arith.constant 0 : i32
        %dma_start3A_364 = tpu.memref_slice %arg6[%add3A_362, %dma_start3A_363] : memref<80x128xi32, #tpu.memory_space<vmem>> -> memref<1x128xi32, #tpu.memory_space<vmem>>
        %dma_start3A_365 = tpu.memref_squeeze %dma_start3A_364 : memref<1x128xi32, #tpu.memory_space<vmem>> -> memref<128xi32, #tpu.memory_space<vmem>>
        %dma_start3A_366 = arith.constant 0 : i32
        %dma_start3A_367 = arith.constant 0 : i32
        %dma_start3A_368 = tpu.memref_slice %arg2[%dma_start3A_366, %dma_start3A_367] : memref<10240x64xf32, #tpu.memory_space<hbm>> -> memref<10240x64xf32, #tpu.memory_space<hbm>>
        tpu.enqueue_indirect_dma source(%dma_start3A_368 : memref<10240x64xf32, #tpu.memory_space<hbm>>) target(%arg12 : memref<128x64xf32, #tpu.memory_space<vmem>>) offsets(%dma_start3A_365 : memref<128xi32, #tpu.memory_space<vmem>>) semaphore(%arg21 : memref<!tpu.dma_semaphore, #tpu.memory_space<semaphore_mem>>)
      } else {
      }
      %add3A_308 = arith.constant 5 : i32
      %add3A_309 = arith.addi %mul3A_97, %add3A_308 : i32
      %dma_wait3A_310 = arith.constant 0 : i32
      %dma_wait3A_311 = tpu.memref_slice %arg7[%add3A_309, %dma_wait3A_310] : memref<80x128xi32, #tpu.memory_space<vmem>> -> memref<1x128xi32, #tpu.memory_space<vmem>>
      %dma_wait3A_312 = tpu.memref_squeeze %dma_wait3A_311 : memref<1x128xi32, #tpu.memory_space<vmem>> -> memref<128xi32, #tpu.memory_space<vmem>>
      %dma_wait3A_313 = arith.constant 0 : i32
      %dma_wait3A_314 = arith.constant 0 : i32
      %dma_wait3A_315 = tpu.memref_slice %arg16[%dma_wait3A_313, %dma_wait3A_314] : memref<10240x64xf32, #tpu.memory_space<vmem_shared>> -> memref<10240x64xf32, #tpu.memory_space<vmem_shared>>
      tpu.wait_indirect_dma semaphore(%arg22 : memref<!tpu.dma_semaphore, #tpu.memory_space<semaphore_mem>>) src(%arg13 : memref<128x64xf32, #tpu.memory_space<vmem>>) dst(%dma_wait3A_315 : memref<10240x64xf32, #tpu.memory_space<vmem_shared>>)
      %add3A_316 = arith.constant 5 : i32
      %add3A_317 = arith.addi %mul3A_97, %add3A_316 : i32
      %add3A_318 = arith.constant 8 : i32
      %add3A_319 = arith.addi %add3A_317, %add3A_318 : i32
      %lt3A_320 = arith.constant 80 : i32
      %lt3A_321 = arith.cmpi slt, %add3A_319, %lt3A_320 : i32
      %convert_element_type3A_322 = arith.extui %lt3A_321 : i1 to i32
      %cond3A_323 = arith.constant 0 : i32
      %cond3A_324 = arith.cmpi ne, %convert_element_type3A_322, %cond3A_323 : i32
      scf.if %cond3A_324 {
        %add3A_359 = arith.constant 5 : i32
        %add3A_360 = arith.addi %mul3A_97, %add3A_359 : i32
        %add3A_361 = arith.constant 8 : i32
        %add3A_362 = arith.addi %add3A_360, %add3A_361 : i32
        %dma_start3A_363 = arith.constant 0 : i32
        %dma_start3A_364 = tpu.memref_slice %arg6[%add3A_362, %dma_start3A_363] : memref<80x128xi32, #tpu.memory_space<vmem>> -> memref<1x128xi32, #tpu.memory_space<vmem>>
        %dma_start3A_365 = tpu.memref_squeeze %dma_start3A_364 : memref<1x128xi32, #tpu.memory_space<vmem>> -> memref<128xi32, #tpu.memory_space<vmem>>
        %dma_start3A_366 = arith.constant 0 : i32
        %dma_start3A_367 = arith.constant 0 : i32
        %dma_start3A_368 = tpu.memref_slice %arg2[%dma_start3A_366, %dma_start3A_367] : memref<10240x64xf32, #tpu.memory_space<hbm>> -> memref<10240x64xf32, #tpu.memory_space<hbm>>
        tpu.enqueue_indirect_dma source(%dma_start3A_368 : memref<10240x64xf32, #tpu.memory_space<hbm>>) target(%arg13 : memref<128x64xf32, #tpu.memory_space<vmem>>) offsets(%dma_start3A_365 : memref<128xi32, #tpu.memory_space<vmem>>) semaphore(%arg22 : memref<!tpu.dma_semaphore, #tpu.memory_space<semaphore_mem>>)
      } else {
      }
      %add3A_325 = arith.constant 6 : i32
      %add3A_326 = arith.addi %mul3A_97, %add3A_325 : i32
      %dma_wait3A_327 = arith.constant 0 : i32
      %dma_wait3A_328 = tpu.memref_slice %arg7[%add3A_326, %dma_wait3A_327] : memref<80x128xi32, #tpu.memory_space<vmem>> -> memref<1x128xi32, #tpu.memory_space<vmem>>
      %dma_wait3A_329 = tpu.memref_squeeze %dma_wait3A_328 : memref<1x128xi32, #tpu.memory_space<vmem>> -> memref<128xi32, #tpu.memory_space<vmem>>
      %dma_wait3A_330 = arith.constant 0 : i32
      %dma_wait3A_331 = arith.constant 0 : i32
      %dma_wait3A_332 = tpu.memref_slice %arg16[%dma_wait3A_330, %dma_wait3A_331] : memref<10240x64xf32, #tpu.memory_space<vmem_shared>> -> memref<10240x64xf32, #tpu.memory_space<vmem_shared>>
      tpu.wait_indirect_dma semaphore(%arg23 : memref<!tpu.dma_semaphore, #tpu.memory_space<semaphore_mem>>) src(%arg14 : memref<128x64xf32, #tpu.memory_space<vmem>>) dst(%dma_wait3A_332 : memref<10240x64xf32, #tpu.memory_space<vmem_shared>>)
      %add3A_333 = arith.constant 6 : i32
      %add3A_334 = arith.addi %mul3A_97, %add3A_333 : i32
      %add3A_335 = arith.constant 8 : i32
      %add3A_336 = arith.addi %add3A_334, %add3A_335 : i32
      %lt3A_337 = arith.constant 80 : i32
      %lt3A_338 = arith.cmpi slt, %add3A_336, %lt3A_337 : i32
      %convert_element_type3A_339 = arith.extui %lt3A_338 : i1 to i32
      %cond3A_340 = arith.constant 0 : i32
      %cond3A_341 = arith.cmpi ne, %convert_element_type3A_339, %cond3A_340 : i32
      scf.if %cond3A_341 {
        %add3A_359 = arith.constant 6 : i32
        %add3A_360 = arith.addi %mul3A_97, %add3A_359 : i32
        %add3A_361 = arith.constant 8 : i32
        %add3A_362 = arith.addi %add3A_360, %add3A_361 : i32
        %dma_start3A_363 = arith.constant 0 : i32
        %dma_start3A_364 = tpu.memref_slice %arg6[%add3A_362, %dma_start3A_363] : memref<80x128xi32, #tpu.memory_space<vmem>> -> memref<1x128xi32, #tpu.memory_space<vmem>>
        %dma_start3A_365 = tpu.memref_squeeze %dma_start3A_364 : memref<1x128xi32, #tpu.memory_space<vmem>> -> memref<128xi32, #tpu.memory_space<vmem>>
        %dma_start3A_366 = arith.constant 0 : i32
        %dma_start3A_367 = arith.constant 0 : i32
        %dma_start3A_368 = tpu.memref_slice %arg2[%dma_start3A_366, %dma_start3A_367] : memref<10240x64xf32, #tpu.memory_space<hbm>> -> memref<10240x64xf32, #tpu.memory_space<hbm>>
        tpu.enqueue_indirect_dma source(%dma_start3A_368 : memref<10240x64xf32, #tpu.memory_space<hbm>>) target(%arg14 : memref<128x64xf32, #tpu.memory_space<vmem>>) offsets(%dma_start3A_365 : memref<128xi32, #tpu.memory_space<vmem>>) semaphore(%arg23 : memref<!tpu.dma_semaphore, #tpu.memory_space<semaphore_mem>>)
      } else {
      }
      %add3A_342 = arith.constant 7 : i32
      %add3A_343 = arith.addi %mul3A_97, %add3A_342 : i32
      %dma_wait3A_344 = arith.constant 0 : i32
      %dma_wait3A_345 = tpu.memref_slice %arg7[%add3A_343, %dma_wait3A_344] : memref<80x128xi32, #tpu.memory_space<vmem>> -> memref<1x128xi32, #tpu.memory_space<vmem>>
      %dma_wait3A_346 = tpu.memref_squeeze %dma_wait3A_345 : memref<1x128xi32, #tpu.memory_space<vmem>> -> memref<128xi32, #tpu.memory_space<vmem>>
      %dma_wait3A_347 = arith.constant 0 : i32
      %dma_wait3A_348 = arith.constant 0 : i32
      %dma_wait3A_349 = tpu.memref_slice %arg16[%dma_wait3A_347, %dma_wait3A_348] : memref<10240x64xf32, #tpu.memory_space<vmem_shared>> -> memref<10240x64xf32, #tpu.memory_space<vmem_shared>>
      tpu.wait_indirect_dma semaphore(%arg24 : memref<!tpu.dma_semaphore, #tpu.memory_space<semaphore_mem>>) src(%arg15 : memref<128x64xf32, #tpu.memory_space<vmem>>) dst(%dma_wait3A_349 : memref<10240x64xf32, #tpu.memory_space<vmem_shared>>)
      %add3A_350 = arith.constant 7 : i32
      %add3A_351 = arith.addi %mul3A_97, %add3A_350 : i32
      %add3A_352 = arith.constant 8 : i32
      %add3A_353 = arith.addi %add3A_351, %add3A_352 : i32
      %lt3A_354 = arith.constant 80 : i32
      %lt3A_355 = arith.cmpi slt, %add3A_353, %lt3A_354 : i32
      %convert_element_type3A_356 = arith.extui %lt3A_355 : i1 to i32
      %cond3A_357 = arith.constant 0 : i32
      %cond3A_358 = arith.cmpi ne, %convert_element_type3A_356, %cond3A_357 : i32
      scf.if %cond3A_358 {
        %add3A_359 = arith.constant 7 : i32
        %add3A_360 = arith.addi %mul3A_97, %add3A_359 : i32
        %add3A_361 = arith.constant 8 : i32
        %add3A_362 = arith.addi %add3A_360, %add3A_361 : i32
        %dma_start3A_363 = arith.constant 0 : i32
        %dma_start3A_364 = tpu.memref_slice %arg6[%add3A_362, %dma_start3A_363] : memref<80x128xi32, #tpu.memory_space<vmem>> -> memref<1x128xi32, #tpu.memory_space<vmem>>
        %dma_start3A_365 = tpu.memref_squeeze %dma_start3A_364 : memref<1x128xi32, #tpu.memory_space<vmem>> -> memref<128xi32, #tpu.memory_space<vmem>>
        %dma_start3A_366 = arith.constant 0 : i32
        %dma_start3A_367 = arith.constant 0 : i32
        %dma_start3A_368 = tpu.memref_slice %arg2[%dma_start3A_366, %dma_start3A_367] : memref<10240x64xf32, #tpu.memory_space<hbm>> -> memref<10240x64xf32, #tpu.memory_space<hbm>>
        tpu.enqueue_indirect_dma source(%dma_start3A_368 : memref<10240x64xf32, #tpu.memory_space<hbm>>) target(%arg15 : memref<128x64xf32, #tpu.memory_space<vmem>>) offsets(%dma_start3A_365 : memref<128xi32, #tpu.memory_space<vmem>>) semaphore(%arg24 : memref<!tpu.dma_semaphore, #tpu.memory_space<semaphore_mem>>)
      } else {
      }
    }
    %scan3A_93 = arith.constant 10 : i32
    %barrier3A_94 = arith.constant 0 : index
    tpu.barrier barrier_id(%barrier3A_94)
    "tpu.region"() ({
      %run_scoped3A = tpu.sem_alloc : memref<!tpu.dma_semaphore, #tpu.memory_space<semaphore_mem>>
      %dma_start3A_95 = arith.constant 0 : i32
      %dma_start3A_96 = tpu.memref_slice %arg5[%arg0, %mul3A_2, %dma_start3A_95] : memref<2x10240x64xf32, #tpu.memory_space<hbm>> -> memref<1x640x64xf32, #tpu.memory_space<hbm>>
      %dma_start3A_97 = tpu.memref_squeeze %dma_start3A_96 : memref<1x640x64xf32, #tpu.memory_space<hbm>> -> memref<640x64xf32, #tpu.memory_space<hbm>>
      %dma_start3A_98 = arith.constant 0 : i32
      %dma_start3A_99 = tpu.memref_slice %arg16[%mul3A_2, %dma_start3A_98] : memref<10240x64xf32, #tpu.memory_space<vmem_shared>> -> memref<640x64xf32, #tpu.memory_space<vmem_shared>>
      tpu.enqueue_dma source(%dma_start3A_99 : memref<640x64xf32, #tpu.memory_space<vmem_shared>>) target(%dma_start3A_97 : memref<640x64xf32, #tpu.memory_space<hbm>>) target_semaphore(%run_scoped3A : memref<!tpu.dma_semaphore, #tpu.memory_space<semaphore_mem>>)
      %dma_wait3A_100 = arith.constant 0 : i32
      %dma_wait3A_101 = tpu.memref_slice %arg5[%arg0, %mul3A_2, %dma_wait3A_100] : memref<2x10240x64xf32, #tpu.memory_space<hbm>> -> memref<1x640x64xf32, #tpu.memory_space<hbm>>
      %dma_wait3A_102 = tpu.memref_squeeze %dma_wait3A_101 : memref<1x640x64xf32, #tpu.memory_space<hbm>> -> memref<640x64xf32, #tpu.memory_space<hbm>>
      %dma_wait3A_103 = arith.constant 0 : i32
      %dma_wait3A_104 = tpu.memref_slice %arg16[%mul3A_2, %dma_wait3A_103] : memref<10240x64xf32, #tpu.memory_space<vmem_shared>> -> memref<640x64xf32, #tpu.memory_space<vmem_shared>>
      tpu.wait_dma2 semaphore(%run_scoped3A : memref<!tpu.dma_semaphore, #tpu.memory_space<semaphore_mem>>) src(%dma_wait3A_104 : memref<640x64xf32, #tpu.memory_space<vmem_shared>>) dst(%dma_wait3A_102 : memref<640x64xf32, #tpu.memory_space<hbm>>)
      tpu.yield
    }) : () -> ()
    return
  }
}

#map = affine_map<(d0, d1) -> (0, 0)>
#map1 = affine_map<(d0, d1) -> (0)>
module attributes {stable_mosaic.version = 14 : i64} {
  func.func @_count_kernel(%arg0: i32, %arg1: i32, %arg2: memref<2560x128xi32, #tpu.memory_space<hbm>>, %arg3: memref<10240xf32, #tpu.memory_space<hbm>>, %arg4: memref<2x10240xf32, #tpu.memory_space<hbm>>, %arg5: memref<80x128xi32, #tpu.memory_space<vmem>>, %arg6: memref<128xf32, #tpu.memory_space<vmem>>, %arg7: memref<10240xf32, #tpu.memory_space<vmem_shared>>, %arg8: memref<!tpu.dma_semaphore, #tpu.memory_space<semaphore_mem>>) attributes {dimension_semantics = [#tpu.dimension_semantics<core_parallel>, #tpu.dimension_semantics<subcore_parallel>], iteration_bounds = array<i64: 2, 16>, scalar_prefetch = 0 : i64, scratch_operands = 4 : i64, tpu.core_type = #tpu.core_type<sc_vector_subcore>, window_params = [{transform_indices = #map}, {transform_indices = #map1}, {transform_indices = #map}]} {
    %mul3A = arith.constant 2 : i32
    %mul3A_0 = arith.muli %arg1, %mul3A : i32
    %add3A = arith.addi %mul3A_0, %arg0 : i32
    %broadcast_in_dim3A = arith.constant 1.000000e+00 : f32
    %broadcast_in_dim3A_1 = vector.broadcast %broadcast_in_dim3A : f32 to vector<16xf32>
    %swap3A = arith.constant 0 : index
    %swap3A_2 = tpu.vector_load %arg6[%swap3A] {strides = array<i32>} : memref<128xf32, #tpu.memory_space<vmem>>, vector<16xf32>,
    %swap3A_3 = vector.shape_cast %swap3A_2 : vector<16xf32> to vector<16xf32>
    %swap3A_4 = vector.shape_cast %broadcast_in_dim3A_1 : vector<16xf32> to vector<16xf32>
    tpu.vector_store %arg6[%swap3A], %swap3A_4 {strides = array<i32>} : memref<128xf32, #tpu.memory_space<vmem>>, vector<16xf32>,
    %swap3A_5 = arith.constant 16 : index
    %swap3A_6 = tpu.vector_load %arg6[%swap3A_5] {strides = array<i32>} : memref<128xf32, #tpu.memory_space<vmem>>, vector<16xf32>,
    %swap3A_7 = vector.shape_cast %swap3A_6 : vector<16xf32> to vector<16xf32>
    %swap3A_8 = vector.shape_cast %broadcast_in_dim3A_1 : vector<16xf32> to vector<16xf32>
    tpu.vector_store %arg6[%swap3A_5], %swap3A_8 {strides = array<i32>} : memref<128xf32, #tpu.memory_space<vmem>>, vector<16xf32>,
    %swap3A_9 = arith.constant 32 : index
    %swap3A_10 = tpu.vector_load %arg6[%swap3A_9] {strides = array<i32>} : memref<128xf32, #tpu.memory_space<vmem>>, vector<16xf32>,
    %swap3A_11 = vector.shape_cast %swap3A_10 : vector<16xf32> to vector<16xf32>
    %swap3A_12 = vector.shape_cast %broadcast_in_dim3A_1 : vector<16xf32> to vector<16xf32>
    tpu.vector_store %arg6[%swap3A_9], %swap3A_12 {strides = array<i32>} : memref<128xf32, #tpu.memory_space<vmem>>, vector<16xf32>,
    %swap3A_13 = arith.constant 48 : index
    %swap3A_14 = tpu.vector_load %arg6[%swap3A_13] {strides = array<i32>} : memref<128xf32, #tpu.memory_space<vmem>>, vector<16xf32>,
    %swap3A_15 = vector.shape_cast %swap3A_14 : vector<16xf32> to vector<16xf32>
    %swap3A_16 = vector.shape_cast %broadcast_in_dim3A_1 : vector<16xf32> to vector<16xf32>
    tpu.vector_store %arg6[%swap3A_13], %swap3A_16 {strides = array<i32>} : memref<128xf32, #tpu.memory_space<vmem>>, vector<16xf32>,
    %swap3A_17 = arith.constant 64 : index
    %swap3A_18 = tpu.vector_load %arg6[%swap3A_17] {strides = array<i32>} : memref<128xf32, #tpu.memory_space<vmem>>, vector<16xf32>,
    %swap3A_19 = vector.shape_cast %swap3A_18 : vector<16xf32> to vector<16xf32>
    %swap3A_20 = vector.shape_cast %broadcast_in_dim3A_1 : vector<16xf32> to vector<16xf32>
    tpu.vector_store %arg6[%swap3A_17], %swap3A_20 {strides = array<i32>} : memref<128xf32, #tpu.memory_space<vmem>>, vector<16xf32>,
    %swap3A_21 = arith.constant 80 : index
    %swap3A_22 = tpu.vector_load %arg6[%swap3A_21] {strides = array<i32>} : memref<128xf32, #tpu.memory_space<vmem>>, vector<16xf32>,
    %swap3A_23 = vector.shape_cast %swap3A_22 : vector<16xf32> to vector<16xf32>
    %swap3A_24 = vector.shape_cast %broadcast_in_dim3A_1 : vector<16xf32> to vector<16xf32>
    tpu.vector_store %arg6[%swap3A_21], %swap3A_24 {strides = array<i32>} : memref<128xf32, #tpu.memory_space<vmem>>, vector<16xf32>,
    %swap3A_25 = arith.constant 96 : index
    %swap3A_26 = tpu.vector_load %arg6[%swap3A_25] {strides = array<i32>} : memref<128xf32, #tpu.memory_space<vmem>>, vector<16xf32>,
    %swap3A_27 = vector.shape_cast %swap3A_26 : vector<16xf32> to vector<16xf32>
    %swap3A_28 = vector.shape_cast %broadcast_in_dim3A_1 : vector<16xf32> to vector<16xf32>
    tpu.vector_store %arg6[%swap3A_25], %swap3A_28 {strides = array<i32>} : memref<128xf32, #tpu.memory_space<vmem>>, vector<16xf32>,
    %swap3A_29 = arith.constant 112 : index
    %swap3A_30 = tpu.vector_load %arg6[%swap3A_29] {strides = array<i32>} : memref<128xf32, #tpu.memory_space<vmem>>, vector<16xf32>,
    %swap3A_31 = vector.shape_cast %swap3A_30 : vector<16xf32> to vector<16xf32>
    %swap3A_32 = vector.shape_cast %broadcast_in_dim3A_1 : vector<16xf32> to vector<16xf32>
    tpu.vector_store %arg6[%swap3A_29], %swap3A_32 {strides = array<i32>} : memref<128xf32, #tpu.memory_space<vmem>>, vector<16xf32>,
    %mul3A_33 = arith.constant 640 : i32
    %mul3A_34 = arith.muli %arg1, %mul3A_33 : i32
    "tpu.region"() ({
      %run_scoped3A = tpu.sem_alloc : memref<!tpu.dma_semaphore, #tpu.memory_space<semaphore_mem>>
      %dma_start3A = tpu.memref_slice %arg7[%mul3A_34] : memref<10240xf32, #tpu.memory_space<vmem_shared>> -> memref<640xf32, #tpu.memory_space<vmem_shared>>
      %dma_start3A_49 = tpu.memref_slice %arg3[%mul3A_34] : memref<10240xf32, #tpu.memory_space<hbm>> -> memref<640xf32, #tpu.memory_space<hbm>>
      tpu.enqueue_dma source(%dma_start3A_49 : memref<640xf32, #tpu.memory_space<hbm>>) target(%dma_start3A : memref<640xf32, #tpu.memory_space<vmem_shared>>) target_semaphore(%run_scoped3A : memref<!tpu.dma_semaphore, #tpu.memory_space<semaphore_mem>>)
      %dma_wait3A = tpu.memref_slice %arg7[%mul3A_34] : memref<10240xf32, #tpu.memory_space<vmem_shared>> -> memref<640xf32, #tpu.memory_space<vmem_shared>>
      %dma_wait3A_50 = tpu.memref_slice %arg3[%mul3A_34] : memref<10240xf32, #tpu.memory_space<hbm>> -> memref<640xf32, #tpu.memory_space<hbm>>
      tpu.wait_dma2 semaphore(%run_scoped3A : memref<!tpu.dma_semaphore, #tpu.memory_space<semaphore_mem>>) src(%dma_wait3A_50 : memref<640xf32, #tpu.memory_space<hbm>>) dst(%dma_wait3A : memref<640xf32, #tpu.memory_space<vmem_shared>>)
      tpu.yield
    }) : () -> ()
    %mul3A_35 = arith.constant 80 : i32
    %mul3A_36 = arith.muli %add3A, %mul3A_35 : i32
    "tpu.region"() ({
      %run_scoped3A = tpu.sem_alloc : memref<!tpu.dma_semaphore, #tpu.memory_space<semaphore_mem>>
      %dma_start3A = arith.constant 0 : i32
      %dma_start3A_49 = tpu.memref_slice %arg2[%mul3A_36, %dma_start3A] : memref<2560x128xi32, #tpu.memory_space<hbm>> -> memref<80x128xi32, #tpu.memory_space<hbm>>
      %dma_start3A_50 = arith.constant 0 : i32
      %dma_start3A_51 = tpu.memref_slice %arg2[%mul3A_36, %dma_start3A_50] : memref<2560x128xi32, #tpu.memory_space<hbm>> -> memref<80x128xi32, #tpu.memory_space<hbm>>
      tpu.enqueue_dma source(%dma_start3A_51 : memref<80x128xi32, #tpu.memory_space<hbm>>) target(%arg5 : memref<80x128xi32, #tpu.memory_space<vmem>>) target_semaphore(%run_scoped3A : memref<!tpu.dma_semaphore, #tpu.memory_space<semaphore_mem>>)
      %dma_wait3A = arith.constant 0 : i32
      %dma_wait3A_52 = tpu.memref_slice %arg2[%mul3A_36, %dma_wait3A] : memref<2560x128xi32, #tpu.memory_space<hbm>> -> memref<80x128xi32, #tpu.memory_space<hbm>>
      %dma_wait3A_53 = arith.constant 0 : i32
      %dma_wait3A_54 = tpu.memref_slice %arg2[%mul3A_36, %dma_wait3A_53] : memref<2560x128xi32, #tpu.memory_space<hbm>> -> memref<80x128xi32, #tpu.memory_space<hbm>>
      tpu.wait_dma2 semaphore(%run_scoped3A : memref<!tpu.dma_semaphore, #tpu.memory_space<semaphore_mem>>) src(%dma_wait3A_54 : memref<80x128xi32, #tpu.memory_space<hbm>>) dst(%arg5 : memref<80x128xi32, #tpu.memory_space<vmem>>)
      tpu.yield
    }) : () -> ()
    %barrier3A = arith.constant 0 : index
    tpu.barrier barrier_id(%barrier3A)
    %scan3A = arith.constant 0 : i32
    %scan3A_37 = arith.constant 0 : i32
    %scan3A_38 = arith.constant 80 : i32
    %scan3A_39 = arith.addi %scan3A_37, %scan3A_38 : i32
    %scan3A_40 = arith.constant 1 : i32
    scf.for %scan3A_49 = %scan3A_37 to %scan3A_39 step %scan3A_40  : i32 {
      %dma_start3A = arith.constant 0 : i32
      %dma_start3A_50 = tpu.memref_slice %arg5[%scan3A_49, %dma_start3A] : memref<80x128xi32, #tpu.memory_space<vmem>> -> memref<1x128xi32, #tpu.memory_space<vmem>>
      %dma_start3A_51 = tpu.memref_squeeze %dma_start3A_50 : memref<1x128xi32, #tpu.memory_space<vmem>> -> memref<128xi32, #tpu.memory_space<vmem>>
      %dma_start3A_52 = arith.constant 0 : i32
      %dma_start3A_53 = tpu.memref_slice %arg7[%dma_start3A_52] : memref<10240xf32, #tpu.memory_space<vmem_shared>> -> memref<10240xf32, #tpu.memory_space<vmem_shared>>
      tpu.enqueue_indirect_dma source(%arg6 : memref<128xf32, #tpu.memory_space<vmem>>) target(%dma_start3A_53 : memref<10240xf32, #tpu.memory_space<vmem_shared>>) offsets(%dma_start3A_51 : memref<128xi32, #tpu.memory_space<vmem>>) semaphore(%arg8 : memref<!tpu.dma_semaphore, #tpu.memory_space<semaphore_mem>>) {add = true}
    }
    %scan3A_41 = arith.constant 80 : i32
    %scan3A_42 = arith.constant 0 : i32
    %scan3A_43 = arith.constant 0 : i32
    %scan3A_44 = arith.constant 80 : i32
    %scan3A_45 = arith.addi %scan3A_43, %scan3A_44 : i32
    %scan3A_46 = arith.constant 1 : i32
    scf.for %scan3A_49 = %scan3A_43 to %scan3A_45 step %scan3A_46  : i32 {
      %dma_wait3A = arith.constant 0 : i32
      %dma_wait3A_50 = arith.constant 0 : i32
      %dma_wait3A_51 = tpu.memref_slice %arg5[%dma_wait3A, %dma_wait3A_50] : memref<80x128xi32, #tpu.memory_space<vmem>> -> memref<1x128xi32, #tpu.memory_space<vmem>>
      %dma_wait3A_52 = tpu.memref_squeeze %dma_wait3A_51 : memref<1x128xi32, #tpu.memory_space<vmem>> -> memref<128xi32, #tpu.memory_space<vmem>>
      %dma_wait3A_53 = arith.constant 0 : i32
      %dma_wait3A_54 = tpu.memref_slice %arg7[%dma_wait3A_53] : memref<10240xf32, #tpu.memory_space<vmem_shared>> -> memref<10240xf32, #tpu.memory_space<vmem_shared>>
      tpu.wait_indirect_dma semaphore(%arg8 : memref<!tpu.dma_semaphore, #tpu.memory_space<semaphore_mem>>) src(%arg6 : memref<128xf32, #tpu.memory_space<vmem>>) dst(%dma_wait3A_54 : memref<10240xf32, #tpu.memory_space<vmem_shared>>)
    }
    %scan3A_47 = arith.constant 80 : i32
    %barrier3A_48 = arith.constant 0 : index
    tpu.barrier barrier_id(%barrier3A_48)
    "tpu.region"() ({
      %run_scoped3A = tpu.sem_alloc : memref<!tpu.dma_semaphore, #tpu.memory_space<semaphore_mem>>
      %dma_start3A = tpu.memref_slice %arg4[%arg0, %mul3A_34] : memref<2x10240xf32, #tpu.memory_space<hbm>> -> memref<1x640xf32, #tpu.memory_space<hbm>>
      %dma_start3A_49 = tpu.memref_squeeze %dma_start3A : memref<1x640xf32, #tpu.memory_space<hbm>> -> memref<640xf32, #tpu.memory_space<hbm>>
      %dma_start3A_50 = tpu.memref_slice %arg7[%mul3A_34] : memref<10240xf32, #tpu.memory_space<vmem_shared>> -> memref<640xf32, #tpu.memory_space<vmem_shared>>
      tpu.enqueue_dma source(%dma_start3A_50 : memref<640xf32, #tpu.memory_space<vmem_shared>>) target(%dma_start3A_49 : memref<640xf32, #tpu.memory_space<hbm>>) target_semaphore(%run_scoped3A : memref<!tpu.dma_semaphore, #tpu.memory_space<semaphore_mem>>)
      %dma_wait3A = tpu.memref_slice %arg4[%arg0, %mul3A_34] : memref<2x10240xf32, #tpu.memory_space<hbm>> -> memref<1x640xf32, #tpu.memory_space<hbm>>
      %dma_wait3A_51 = tpu.memref_squeeze %dma_wait3A : memref<1x640xf32, #tpu.memory_space<hbm>> -> memref<640xf32, #tpu.memory_space<hbm>>
      %dma_wait3A_52 = tpu.memref_slice %arg7[%mul3A_34] : memref<10240xf32, #tpu.memory_space<vmem_shared>> -> memref<640xf32, #tpu.memory_space<vmem_shared>>
      tpu.wait_dma2 semaphore(%run_scoped3A : memref<!tpu.dma_semaphore, #tpu.memory_space<semaphore_mem>>) src(%dma_wait3A_52 : memref<640xf32, #tpu.memory_space<vmem_shared>>) dst(%dma_wait3A_51 : memref<640xf32, #tpu.memory_space<hbm>>)
      tpu.yield
    }) : () -> ()
    return
  }
}

module attributes {stable_mosaic.version = 14 : i64} {
  func.func @_dense_body(%arg0: memref<10240x128xf32, #tpu.memory_space<vmem>>, %arg1: memref<128x64xf32, #tpu.memory_space<vmem>>, %arg2: memref<10240x1xf32, #tpu.memory_space<vmem>>, %arg3: memref<10240x64xf32, #tpu.memory_space<vmem>>) attributes {dimension_semantics = [], scalar_prefetch = 0 : i64, scratch_operands = 0 : i64, tpu.core_type = #tpu.core_type<tc>} {
    %get3A = arith.constant 0 : index
    %get3A_0 = arith.constant 0 : index
    %get3A_1 = vector.load %arg0[%get3A, %get3A_0] : memref<10240x128xf32, #tpu.memory_space<vmem>>, vector<10240x128xf32>
    %get3A_2 = arith.constant 0 : index
    %get3A_3 = arith.constant 0 : index
    %get3A_4 = vector.load %arg1[%get3A_2, %get3A_3] : memref<128x64xf32, #tpu.memory_space<vmem>>, vector<128x64xf32>
    %dot_general3A = arith.constant dense<0.000000e+00> : vector<10240x64xf32>
    %dot_general3A_5 = tpu.matmul %get3A_1, %get3A_4, %dot_general3A {dimension_numbers = #tpu.dot_dimension_numbers<[1], [0], [0], [1], [0, 0, 1, 1], [], []>, transpose_lhs_hint = false} : vector<10240x128xf32>, vector<128x64xf32>, vector<10240x64xf32> -> vector<10240x64xf32>
    %get3A_6 = arith.constant 0 : index
    %get3A_7 = arith.constant 0 : index
    %get3A_8 = vector.load %arg2[%get3A_6, %get3A_7] : memref<10240x1xf32, #tpu.memory_space<vmem>>, vector<10240x1xf32>
    %mul3A = vector.broadcast %get3A_8 : vector<10240x1xf32> to vector<10240x64xf32>
    %mul3A_9 = arith.mulf %dot_general3A_5, %mul3A : vector<10240x64xf32>
    %swap3A = arith.constant 0 : index
    %swap3A_10 = arith.constant 0 : index
    %swap3A_11 = vector.load %arg3[%swap3A, %swap3A_10] : memref<10240x64xf32, #tpu.memory_space<vmem>>, vector<10240x64xf32>
    tpu.vector_store %arg3[%swap3A, %swap3A_10], %mul3A_9 {strides = array<i32>} : memref<10240x64xf32, #tpu.memory_space<vmem>>, vector<10240x64xf32>,
    return
  }
}

module attributes {stable_mosaic.version = 14 : i64} {
  func.func @_final_body(%arg0: i32, %arg1: memref<2x10000x64xf32, #tpu.memory_space<vmem>>, %arg2: memref<10000x64xf32, #tpu.memory_space<vmem>>, %arg3: memref<10000x1xf32, #tpu.memory_space<vmem>>, %arg4: memref<1x64xf32, #tpu.memory_space<vmem>>, %arg5: memref<10000x64xf32, #tpu.memory_space<vmem>>) attributes {dimension_semantics = [#tpu.dimension_semantics<arbitrary>], iteration_bounds = array<i64: 1>, scalar_prefetch = 0 : i64, scratch_operands = 0 : i64, tpu.core_type = #tpu.core_type<tc>, window_params = [{transform_indices = @transform_0, window_bounds = array<i64: 2, 10000, 64>}, {transform_indices = @transform_1, window_bounds = array<i64: 10000, 64>}, {transform_indices = @transform_2, window_bounds = array<i64: 10000, 1>}, {pipeline_mode = #tpu.pipeline_mode<synchronous>, transform_indices = @transform_3, window_bounds = array<i64: 1, 64>}, {pipeline_mode = #tpu.pipeline_mode<synchronous>, transform_indices = @transform_4, window_bounds = array<i64: 10000, 64>}]} {
    %get3A = arith.constant 0 : index
    %get3A_0 = arith.constant 0 : index
    %get3A_1 = arith.constant 0 : index
    %get3A_2 = vector.load %arg1[%get3A, %get3A_0, %get3A_1] : memref<2x10000x64xf32, #tpu.memory_space<vmem>>, vector<1x10000x64xf32>
    %get3A_3 = vector.shape_cast %get3A_2 : vector<1x10000x64xf32> to vector<10000x64xf32>
    %get3A_4 = arith.constant 1 : index
    %get3A_5 = arith.constant 0 : index
    %get3A_6 = arith.constant 0 : index
    %get3A_7 = vector.load %arg1[%get3A_4, %get3A_5, %get3A_6] : memref<2x10000x64xf32, #tpu.memory_space<vmem>>, vector<1x10000x64xf32>
    %get3A_8 = vector.shape_cast %get3A_7 : vector<1x10000x64xf32> to vector<10000x64xf32>
    %add3A = arith.addf %get3A_3, %get3A_8 : vector<10000x64xf32>
    %get3A_9 = arith.constant 0 : index
    %get3A_10 = arith.constant 0 : index
    %get3A_11 = vector.load %arg2[%get3A_9, %get3A_10] : memref<10000x64xf32, #tpu.memory_space<vmem>>, vector<10000x64xf32>
    %sub3A = arith.subf %add3A, %get3A_11 : vector<10000x64xf32>
    %get3A_12 = arith.constant 0 : index
    %get3A_13 = arith.constant 0 : index
    %get3A_14 = vector.load %arg3[%get3A_12, %get3A_13] : memref<10000x1xf32, #tpu.memory_space<vmem>>, vector<10000x1xf32>
    %mul3A = vector.broadcast %get3A_14 : vector<10000x1xf32> to vector<10000x64xf32>
    %mul3A_15 = arith.mulf %sub3A, %mul3A : vector<10000x64xf32>
    %get3A_16 = arith.constant 0 : index
    %get3A_17 = arith.constant 0 : index
    %get3A_18 = vector.load %arg4[%get3A_16, %get3A_17] : memref<1x64xf32, #tpu.memory_space<vmem>>, vector<1x64xf32>
    %add3A_19 = vector.broadcast %get3A_18 : vector<1x64xf32> to vector<10000x64xf32>
    %add3A_20 = arith.addf %mul3A_15, %add3A_19 : vector<10000x64xf32>
    %max3A = arith.constant 0.000000e+00 : f32
    %max3A_21 = vector.broadcast %max3A : f32 to vector<10000x64xf32>
    %max3A_22 = arith.maximumf %add3A_20, %max3A_21 : vector<10000x64xf32>
    %swap3A = arith.constant 0 : index
    %swap3A_23 = arith.constant 0 : index
    %swap3A_24 = vector.load %arg5[%swap3A, %swap3A_23] : memref<10000x64xf32, #tpu.memory_space<vmem>>, vector<10000x64xf32>
    tpu.vector_store %arg5[%swap3A, %swap3A_23], %max3A_22 {strides = array<i32>} : memref<10000x64xf32, #tpu.memory_space<vmem>>, vector<10000x64xf32>,
    return
  }
  func.func @transform_0(%arg0: i32) -> (i32, i32, i32) {
    %c0_i32 = arith.constant 0 : i32
    %c0_i32_0 = arith.constant 0 : i32
    %c0_i32_1 = arith.constant 0 : i32
    %c0_i32_2 = arith.constant 0 : i32
    return %c0_i32, %c0_i32_0, %c0_i32_1 : i32, i32, i32
  }
  func.func @transform_1(%arg0: i32) -> (i32, i32) {
    %c0_i32 = arith.constant 0 : i32
    %c0_i32_0 = arith.constant 0 : i32
    %c0_i32_1 = arith.constant 0 : i32
    return %c0_i32, %c0_i32_0 : i32, i32
  }
  func.func @transform_2(%arg0: i32) -> (i32, i32) {
    %c0_i32 = arith.constant 0 : i32
    %c0_i32_0 = arith.constant 0 : i32
    %c0_i32_1 = arith.constant 0 : i32
    return %c0_i32, %c0_i32_0 : i32, i32
  }
  func.func @transform_3(%arg0: i32) -> (i32, i32) {
    %c0_i32 = arith.constant 0 : i32
    %c0_i32_0 = arith.constant 0 : i32
    %c0_i32_1 = arith.constant 0 : i32
    return %c0_i32, %c0_i32_0 : i32, i32
  }
  func.func @transform_4(%arg0: i32) -> (i32, i32) {
    %c0_i32 = arith.constant 0 : i32
    %c0_i32_0 = arith.constant 0 : i32
    %c0_i32_1 = arith.constant 0 : i32
    return %c0_i32, %c0_i32_0 : i32, i32
  }
}

</mosaic_0001>

<sc_bundles>
// kernel: kernel.6.cloned.1.call-start
scs
__scs_entry_jumppad:
0x0: {  	(pc) =	sbr.rel $0x88, $3  }
0x1: {  	(tag) =	ssettag $0x0;
	lr =	simm.s32 $0x1  }
0x2: {  	[smem:$0x3F9B] =	sst lr;
	_ =	strace $0xD0000000  }
0x3: {  	_ = 	snop  }
0x4: {  	_ = 	snop  }
0x5: {  	_ = 	snop  }
0x6: {  	_ = 	snop  }
0x7: {  	_ = 	snop  }
__scs_overlays_trampoline_lowered:
0x8: {  	[smem:$0x3FAA] =	sst s0  }
0x9: {  	[smem:$0x3FAB] =	sst s1  }
0xa: {  	[smem:$0x3FAC] =	sst s2  }
0xb: {  	[smem:$0x3FAD] =	sst s3  }
0xc: {  	[smem:$0x3FAE] =	sst s4  }
0xd: {  	[smem:$0x3FAF] =	sst s5  }
0xe: {  	[smem:$0x3FB0] =	sst s6  }
0xf: {  	[smem:$0x3FB1] =	sst s7  }
0x10: {  	[smem:$0x3FB2] =	sst s8  }
0x11: {  	[smem:$0x3FB3] =	sst s9;
	s0 =	simm.s32 @!p0 $0x0  }
0x12: {  	s1 =	sld [smem:$0x3F99];
	s0 =	simm.s32 @p0 $0x1  }
0x13: {  	[smem:$0x3FB4] =	sst s0;
	s0 =	simm.s32 @!p1 $0x0  }
0x14: {  	s2 =	sld [smem:$0x3F98];
	s0 =	simm.s32 @p1 $0x1  }
0x15: {  	[smem:$0x3FB5] =	sst s0;
	s0 =	simm.s32 @!p2 $0x0  }
0x16: {  	s3 =	sld [smem:$0x3FDB];
	s0 =	simm.s32 @p2 $0x1  }
0x17: {  	s4 =	simm.s32 $0x1BF5;
	[smem:$0x3FB7] =	sst s0  }
0x18: {  	s0 =	sld [smem:$0x3F9A];
	_ =	swait.ge [sflag:s4], $0x0  }
0x19: {  	s7 =	sld [smem:$0x3F9B]  }
0x1a: {  	s8 =	sadd.s32 $0xFFFFE003, lr  }
0x1b: {  	s9 =	sadd.s32 $0xFFFFFEF7, lr;
	s5 =	simm.s32 $0xFFFFFFFF;
	p2 =	slt.u32 s8, $0xFFFFF086  }
0x1c: {  	p1 =	slt.u32 s9, $0xF7A;
	s5 =	simm.s32 @!p2 $0x0  }
0x1d: {  	s5 =	simm.s32 @p1 $0x1;
	p0 =	seq.s32 s7, s2  }
0x1e: {  	s7 =	smul.u32 @!p0 $0xF7A, s2;
	p2 =	seq.s32 @!p0 s5, $0x0  }
0x1f: {  	s9 =	smul.u32 $0xF7A, s1;
	s8 =	simm.s32 @!p0 $0x1BF5;
	p2 =	por !p2, p0  }
0x20: {  	[sflag:s8] =	ssyncset.s32 @!p0 $0xFFFFF086;
	s6 =	sadd.s32 @!p0 s3, s7;
	s7 =	simm.s32 @!p0 $0x108  }
0x21: {  	s3 =	sadd.s32 s3, s9;
	s6 =	sadd.s32 @!p0 $0x88, s6;
	s7 =	simm.s32 @p2 $0x1082  }
0x22: {  	[simem:s7], [sflag:s8] =	dma.local @!p0 [hbm:s6], $0xF7A  }
0x23: {  	s9 =	sor.u32 $0xD0000000, s2;
	s6 =	simm.s32 $0x108;
	_ =	swait.ge @!p0 [sflag:s8], $0x0  }
0x24: {  	s3 =	sadd.s32 $0x88, s3;
	s6 =	simm.s32 @!p1 $0x1082;
	[sflag:s4] =	ssyncset.s32 $0xFFFFF086  }
0x25: {  	[simem:s6], [sflag:s4] =	dma.local [hbm:s3], $0xF7A  }
0x26: {  	[smem:$0x3F9B] =	sst s1;
	(tag) =	ssettag s2;
	_ =	strace s9  }
0x27: {  	s1 =	sld [smem:$0x3FAB]  }
0x28: {  	s2 =	sld [smem:$0x3FAC]  }
0x29: {  	s4 =	sld [smem:$0x3FAE]  }
0x2a: {  	p0 =	seq.s32 s5, $0x0;
	s5 =	sld [smem:$0x3FAF]  }
0x2b: {  	s6 =	sld [smem:$0x3FB0]  }
0x2c: {  	s7 =	sld [smem:$0x3FB1]  }
0x2d: {  	s3 =	simm.s32 $0x108;
	s8 =	sld [smem:$0x3FB2]  }
0x2e: {  	s3 =	simm.s32 @!p0 $0x1082;
	s9 =	sld [smem:$0x3FB3]  }
0x2f: {  	lr =	sadd.s32 s0, s3;
	s0 =	sld [smem:$0x3FAA]  }
0x30: {  	s3 =	sld [smem:$0x3FAD]  }
0x31: {  	[smem:$0x3FB6] =	sst s10  }
0x32: {  	s10 =	sld [smem:$0x3FB4];
	_ =	sdelay $0x3  }
0x33: {  	p0 =	seq.s32 s10, $0x1;
	s10 =	sld [smem:$0x3FB6];
	_ =	sdelay $0x3  }
0x34: {  	[smem:$0x3FB6] =	sst s10  }
0x35: {  	s10 =	sld [smem:$0x3FB5];
	_ =	sdelay $0x3  }
0x36: {  	p1 =	seq.s32 s10, $0x1;
	s10 =	sld [smem:$0x3FB6];
	_ =	sdelay $0x3  }
0x37: {  	[smem:$0x3FB6] =	sst s10  }
0x38: {  	s10 =	sld [smem:$0x3FB7]  }
0x39: {  	_ = 	snop;
	(pc) =	sbr.ind lr, $3  }
0x3a: {  	_ = 	snop  }
0x3b: {  	_ = 	snop  }
0x3c: {  	p2 =	seq.s32 s10, $0x1;
	s10 =	sld [smem:$0x3FB6]  }
0x3d: {  	_ =	shalt  }
0x3e: {  	_ =	shalt  }
0x3f: {  	_ =	shalt  }
0x40: {  	_ =	shalt  }
0x41: {  	_ =	shalt  }
0x42: {  	_ =	shalt  }
0x43: {  	_ =	shalt  }
0x44: {  	_ =	shalt  }
0x45: {  	_ =	shalt  }
0x46: {  	_ =	shalt  }
0x47: {  	_ =	shalt  }
0x48: {  	_ =	shalt  }
0x49: {  	_ =	shalt  }
0x4a: {  	_ =	shalt  }
0x4b: {  	_ =	shalt  }
0x4c: {  	_ =	shalt  }
0x4d: {  	_ =	shalt  }
0x4e: {  	_ =	shalt  }
0x4f: {  	_ =	shalt  }
0x50: {  	_ =	shalt  }
0x51: {  	_ =	shalt  }
0x52: {  	_ =	shalt  }
0x53: {  	_ =	shalt  }
0x54: {  	_ =	shalt  }
0x55: {  	_ =	shalt  }
0x56: {  	_ =	shalt  }
0x57: {  	_ =	shalt  }
0x58: {  	_ =	shalt  }
0x59: {  	_ =	shalt  }
0x5a: {  	_ =	shalt  }
0x5b: {  	_ =	shalt  }
0x5c: {  	_ =	shalt  }
0x5d: {  	_ =	shalt  }
0x5e: {  	_ =	shalt  }
0x5f: {  	_ =	shalt  }
0x60: {  	_ =	shalt  }
0x61: {  	_ =	shalt  }
0x62: {  	_ =	shalt  }
0x63: {  	_ =	shalt  }
0x64: {  	_ =	shalt  }
0x65: {  	_ =	shalt  }
0x66: {  	_ =	shalt  }
0x67: {  	_ =	shalt  }
0x68: {  	_ =	shalt  }
0x69: {  	_ =	shalt  }
0x6a: {  	_ =	shalt  }
0x6b: {  	_ =	shalt  }
0x6c: {  	_ =	shalt  }
0x6d: {  	_ =	shalt  }
0x6e: {  	_ =	shalt  }
0x6f: {  	_ =	shalt  }
0x70: {  	_ =	shalt  }
0x71: {  	_ =	shalt  }
0x72: {  	_ =	shalt  }
0x73: {  	_ =	shalt  }
0x74: {  	_ =	shalt  }
0x75: {  	_ =	shalt  }
0x76: {  	_ =	shalt  }
0x77: {  	_ =	shalt  }
0x78: {  	_ =	shalt  }
0x79: {  	_ =	shalt  }
0x7a: {  	_ =	shalt  }
0x7b: {  	_ =	shalt  }
0x7c: {  	_ =	shalt  }
0x7d: {  	_ =	shalt  }
0x7e: {  	_ =	shalt  }
0x7f: {  	_ =	shalt  }
0x80: {  	_ =	shalt  }
0x81: {  	_ =	shalt  }
0x82: {  	_ =	shalt  }
0x83: {  	_ =	shalt  }
0x84: {  	_ =	shalt  }
0x85: {  	_ =	shalt  }
0x86: {  	_ =	shalt  }
0x87: {  	_ =	shalt  }
.Lfunc_end0:
.L_simem_size_0:
called_computation_lowered:
.L_overlay_start_0:
0x88: {  	s2 =	sld [smem:$0x3FD9]  }
0x89: {  	s3 =	sld [smem:$0x3FFE];
	_ =	sdelay $0x1  }
0x8a: {  	s1 =	srdreg.scid  }
0x8b: {  	s0 =	sand.u32 $0x1, s1  }
0x8c: {  	s16 =	sshll.u32 s0, $0xA;
	s2 =	sadd.s32 s3, s2  }
0x8d: {  	s2 =	sadd.s32 s2, s16  }
0x8e: {  	[smem:$0x3FC2] =	sst s2  }
0x8f: {  	_ = 	snop  }
0x90: {  	(tm) =	ssettm $0x1  }
0x91: {  	s17 =	sld [smem:$0x3FFB];
	_ =	sdelay $0x3  }
0x92: {  	_ =	strace s17  }
0x93: {  	s2 =	sld [smem:$0x3FFC];
	_ =	sdelay $0x3  }
0x94: {  	_ =	strace s2  }
0x95: {  	s2 =	sld [smem:$0x3FFD];
	_ =	sdelay $0x3  }
0x96: {  	_ =	strace s2  }
0x97: {  	_ =	strace $0x8FFFFFFF  }
0x98: {  	s18 =	sld [smem:$0x3FDB];
	_ =	sdelay $0x1  }
0x99: {  	s19 =	simm.s32 $_scs_section_size  }
0x9a: {  	s4 =	simm.s32 $_size__tile_overlayer_lowered;
	s5 =	simm.s32 $_tile_overlayer_lowered  }
0x9b: {  	s22 =	simm.s32 $0x1BFF;
	s21 =	sshll.u32 s5, $0x1;
	s2 =	sadd.s32 s19, s18  }
0x9c: {  	s6 =	simm.s32 $0x0;
	s20 =	sshll.u32 s4, $0x1;
	s4 =	sadd.s32 s21, s2  }
0x9d: {  	[timem:s6], [sflag:s22] =	dma.local [hbm:s4], s20  }
0x9e: {  	_ =	swait.ge [sflag:s22], s20  }
0x9f: {  	s3 =	ssub.s32 $0x0, s20;
	[sflag:s22] =	ssyncset.done $0x0  }
0xa0: {  	[sflag:s22] =	ssyncadd.s32 s3;
	_ =	sdelay $0x1  }
0xa1: {  	s23 =	simm.s32 $0x1B8B  }
0xa2: {  	_ =	swait.ge [sflag:s23], $0x1  }
0xa3: {  	[sflag:s23] =	ssyncset.done $0x0  }
0xa4: {  	s25 =	simm.s32 $0x1B8E;
	s24 =	sld [smem:$0x3FFE];
	[sflag:s23] =	ssyncadd.s32 $0xFFFFFFFF  }
0xa5: {  	s26 =	simm.s32 $execute0_lowered;
	[smem:$0x3FD2] =	sst s25  }
0xa6: {  	s4 =	sshll.u32 s26, $0x1;
	_ =	strace $0x80000046;
	[dreg:$0x1] =	wrdreg $0xFFFFFFFF  }
0xa7: {  	s28 =	simm.s32 $_size_execute0_lowered;
	s2 =	sadd.s32 s2, s4;
	[dreg:$0x0] =	wrdreg $0x0  }
0xa8: {  	s4 =	sshll.u32 s28, $0x1;
	[dreg:$0x2] =	wrdreg s2  }
0xa9: {  	[dreg:$0x3] =	wrdreg s4  }
0xaa: {  	[dreg:$0x4] =	wrdreg $0xC0  }
0xab: {  	_ =	task [dreg:s6], $0x5FFFF  }
0xac: {  	[dreg:$0x1] =	wrdreg $0xFFFFFFFF  }
0xad: {  	[dreg:$0x0] =	wrdreg $0x60  }
0xae: {  	[dreg:$0x2] =	wrdreg s24  }
0xaf: {  	[dreg:$0x3] =	wrdreg $0x28800  }
0xb0: {  	[dreg:$0x4] =	wrdreg $0x9  }
0xb1: {  	_ =	task.clear_ibuf [dreg:s6], $0x5FFFF;
	_ =	strace $0x90000046  }
0xb2: {  	s29 =	simm.s32 $0x9;
	_ =	strace $0x80000048  }
0xb3: {  	_ =	swait.ge [sflag:s29], $0x1  }
0xb4: {  	[sflag:s29] =	ssyncadd.s32 $0xFFFFFFFF  }
0xb5: {  	_ =	strace $0x90000048  }
0xb6: {  	_ =	sfence  }
0xb7: {  	s30 =	sld [smem:$0x0];
	_ =	sdelay $0x2  }
0xb8: {  	s31 =	sshll.u32 s1, $0xD;
	s1 =	sshrl.u32 s1, $0x2  }
0xb9: {  	s3 =	sand.u32 $0x4000, s31;
	s1 =	sadd.s32 s1, s30  }
0xba: {  	s0 =	sor.u32 s3, s0;
	s1 =	sshll.u32 s1, $0x11  }
0xbb: {  	s0 =	sor.u32 s1, s0  }
0xbc: {  	s0 =	sadd.s32 $0x8F2B, s0  }
0xbd: {  	[sflag:s0] =	ssyncadd.remote.s32 $0x1  }
0xbe: {  	_ =	sfence.sel $0xFFFF  }
0xbf: {  	[dreg:$0x0] =	wrdreg $0xFFFFFFFF;
	(pc) =	sbr.abs _section_cstart, $3  }
0xc0: {  	[dreg:$0x1] =	wrdreg $0xFFFFFFFF  }
0xc1: {  	_ =	task.clear_ibuf [dreg:s6], $0x2FFFF;
	_ =	strace $0x9FFFFFFF  }
0xc2: {  	(tm) =	ssettm $0x7FFFFFFF  }
0xc3: {  	_ =	shalt  }
tec
execute0_lowered:
.L_overlay_start_1:
0x0: {  	(tag) =	ssettag $0x1  }
0x1: {  	s1 =	srdreg.scid  }
0x2: {  	s0 =	stileid.u32;
	s5 =	rddreg [dreg:$0x0]  }
0x3: {  	s2 =	rddreg [dreg:$0x1];
	s3 =	simm.s32 $0x0;
	s12 =	simm.s32 $0x2800  }
0x4: {  	s13 =	simm.s32 $0x1;
	s14 =	simm.s32 $0x0;
	s4 =	sand.u32 $0x1, s1  }
0x5: {  	s30 =	sshll.u32 s0, $0x1;
	s7 =	smul.u32 $0x280, s0;
	[smem:$0x7FF] =	sst s3  }
0x6: {  	s31 =	sshll.u32 s0, $0x6;
	s1 =	sor.u32 s4, s30;
	s8 =	smul.u32 $0x2800, s4  }
0x7: {  	s4 =	ssub.s32 $0x2, s4;
	s6 =	smul.u32 $0x500, s1;
	s1 =	rddreg [dreg:$0x2]  }
0x8: {  	_ =	strace $0x80000047;
	s9 =	sshrl.u32 s7, $0x3;
	s10 =	sshrl.u32 s4, $0x1  }
0x9: {  	s11 =	sadd.s32 s7, s2;
	s8 =	sadd.s32 s7, s8;
	s9 =	sadd.s32 s9, s5  }
0xa: {  	s10 =	ssub.s32 s4, s10;
	s6 =	sadd.s32 s6, s5;
	s8 =	sshrl.u32 s8, $0x3  }
0xb: {  	s4 =	sadd.s32 $0xB000, s9;
	s9 =	sshrl.u32 s11, $0x3;
	s11 =	simm.s32 $0x80  }
0xc: {  	s8 =	sadd.s32 s8, s5;
	s5 =	sor.u32 $0x1C02, s31;
	s6 =	sadd.s32 $0x1000, s6  }
0xd: {  	v0 =	vimm.f32 $1.000000000e+00;
	s7 =	sadd.s32 $0xB600, s8;
	s8 =	smax.u32 s10, $0x1;
	s10 =	simm.s32 $0x2  }
.LBB2_1:
0xe: {  	[tilespmem:$0x2800] =	vst v0  }
0xf: {  	[tilespmem:$0x2810] =	vst v0  }
0x10: {  	[tilespmem:$0x2820] =	vst v0  }
0x11: {  	[tilespmem:$0x2830] =	vst v0  }
0x12: {  	[tilespmem:$0x2840] =	vst v0  }
0x13: {  	[tilespmem:$0x2850] =	vst v0  }
0x14: {  	[tilespmem:$0x2860] =	vst v0  }
0x15: {  	[tilespmem:$0x2870] =	vst v0  }
0x16: {  	[spmem:s9], [sflag:s5] =	dma.local [hbm:s4], $0x50  }
0x17: {  	_ =	swait.ge [sflag:s10], $0x50  }
0x18: {  	[sflag:s10] =	ssyncset.done $0x0  }
0x19: {  	[sflag:s10] =	ssyncadd.s32 $0xFFFFFFB0  }
0x1a: {  	[tilespmem:s3], [sflag:$0x2] =	stream.linear.gather [hbm4b:s6+s3], $0x2800, $0x38;
	[tilespmem:$0x2B00] =	vst v63  }
0x1b: {  	_ =	swait.ge [sflag:s10], $0x2800  }
0x1c: {  	[sflag:s10] =	ssyncset.done $0x0  }
0x1d: {  	[sflag:s10] =	ssyncadd.s32 $0xFFFFD800  }
0x1e: {  	s15 =	simm.s32 $0x0;
	[bflag:$0x0] =	sbarrier.arrive $0xFFFF  }
.LBB2_2:
0x1f: {  	p0 =	sne.s32 s15, $0x9E00  }
.Ltmp0:
0x20: {  	_ = 	snop;
	(pc) =	sbr.rel @p0 .LBB2_2-.Ltmp0, $3  }
0x21: {  	_ =	sdelay $0x1  }
0x22: {  	s16 =	sshra.s32 s15, $0x2;
	s15 =	sadd.s32 $0x200, s15  }
0x23: {  	[spmem:s2] =	stream.indirect.scatter.add.f32 [tilespmem:s12], [sflag:$0x1], $0x1, s16, s11, $0xb8;
	[tilespmem:$0x2B00] =	vst v63  }
0x24: {  	_ =	swait.ge [sflag:s13], $0x80  }
0x25: {  	s15 =	simm.s32 $0x4F;
	[sflag:s13] =	ssyncset.done $0x0  }
.LBB2_4:
0x26: {  	p0 =	sne.s32 s15, $0x1;
	s15 =	sadd.s32 $0xFFFFFFFF, s15;
	[sflag:s13] =	ssyncadd.s32 $0xFFFFFF80  }
.Ltmp1:
0x27: {  	(pc) =	sbr.rel @p0 .LBB2_4-.Ltmp1, $3  }
0x28: {  	_ =	sdelay $0x1  }
0x29: {  	_ =	swait.ge [sflag:s13], $0x80  }
0x2a: {  	[sflag:s13] =	ssyncset.done $0x0  }
0x2b: {  	s14 =	sadd.s32 $0x1, s14  }
0x2c: {  	[sflag:s13] =	ssyncadd.s32 $0xFFFFFF80;
	p0 =	sne.s32 s14, s8  }
.Ltmp2:
0x2d: {  	[bflag:$0x0] =	sbarrier.arrive $0xFFFF;
	(pc) =	sbr.rel @p0 .LBB2_1-.Ltmp2, $4  }
0x2e: {  	[hbm:s7], [sflag:s5] =	dma.local [spmem:s9], $0x50  }
0x2f: {  	_ =	swait.ge [sflag:s10], $0x50  }
0x30: {  	[sflag:s10] =	ssyncset.done $0x0  }
0x31: {  	[sflag:s10] =	ssyncadd.s32 $0xFFFFFFB0  }
0x32: {  	_ =	sfence.sel $0x180000  }
0x33: {  	[bflag:$0x0] =	sbarrier.arrive $0xFFFF  }
0x34: {  	p0 =	sne.s32 s0, $0x0;
	_ =	strace $0x90000047  }
0x35: {  	s0 =	sadd.s32 @!p0 $0x100000, s1;
	[bflag:$0x2] =	sbarrier.arrive $0xFFFF  }
0x36: {  	[sflag:s0] =	ssyncadd.tile.s32 @!p0 $0x1;
	_ =	shalt  }
.Lfunc_end2:
_tile_overlayer_lowered:
.L_overlay_start_2:
0x37: {  	(tag) =	ssettag $0x2  }
0x38: {  	s0 =	rddreg [dreg:$0x0];
	s2 =	stileid.u32  }
0x39: {  	s1 =	rddreg [dreg:$0x1];
	p0 =	sne.s32 s2, $0x0  }
0x3a: {  	s3 =	rddreg [dreg:$0x2];
	[bflag:$0x3] =	sbarrier.arrive $0xFFFF;
	s2 =	simm.s32 @!p0 $0x1C02  }
0x3b: {  	[timem:s3], [sflag:s2] =	dma.local @!p0 [hbm:s0], s1  }
0x3c: {  	s0 =	simm.s32 @!p0 $0x2  }
0x3d: {  	_ =	swait.ge @!p0 [sflag:s0], s1  }
0x3e: {  	s1 =	ssub.s32 @!p0 $0x0, s1;
	[sflag:s0] =	ssyncset.done @!p0 $0x0  }
0x3f: {  	[sflag:s0] =	ssyncadd.s32 @!p0 s1  }
0x40: {  	[bflag:$0x3] =	sbarrier.arrive $0xFFFF  }
0x41: {  	_ =	shalt  }

// kernel: kernel.9.cloned.1.call-start
scs
__scs_entry_jumppad:
0x0: {  	(pc) =	sbr.rel $0x88, $3  }
0x1: {  	(tag) =	ssettag $0x0;
	lr =	simm.s32 $0x1  }
0x2: {  	[smem:$0x3F9B] =	sst lr;
	_ =	strace $0xD0000000  }
0x3: {  	_ = 	snop  }
0x4: {  	_ = 	snop  }
0x5: {  	_ = 	snop  }
0x6: {  	_ = 	snop  }
0x7: {  	_ = 	snop  }
__scs_overlays_trampoline_lowered:
0x8: {  	[smem:$0x3FAA] =	sst s0  }
0x9: {  	[smem:$0x3FAB] =	sst s1  }
0xa: {  	[smem:$0x3FAC] =	sst s2  }
0xb: {  	[smem:$0x3FAD] =	sst s3  }
0xc: {  	[smem:$0x3FAE] =	sst s4  }
0xd: {  	[smem:$0x3FAF] =	sst s5  }
0xe: {  	[smem:$0x3FB0] =	sst s6  }
0xf: {  	[smem:$0x3FB1] =	sst s7  }
0x10: {  	[smem:$0x3FB2] =	sst s8  }
0x11: {  	[smem:$0x3FB3] =	sst s9;
	s0 =	simm.s32 @!p0 $0x0  }
0x12: {  	s1 =	sld [smem:$0x3F99];
	s0 =	simm.s32 @p0 $0x1  }
0x13: {  	[smem:$0x3FB4] =	sst s0;
	s0 =	simm.s32 @!p1 $0x0  }
0x14: {  	s2 =	sld [smem:$0x3F98];
	s0 =	simm.s32 @p1 $0x1  }
0x15: {  	[smem:$0x3FB5] =	sst s0;
	s0 =	simm.s32 @!p2 $0x0  }
0x16: {  	s3 =	sld [smem:$0x3FDB];
	s0 =	simm.s32 @p2 $0x1  }
0x17: {  	s4 =	simm.s32 $0x1BF5;
	[smem:$0x3FB7] =	sst s0  }
0x18: {  	s0 =	sld [smem:$0x3F9A];
	_ =	swait.ge [sflag:s4], $0x0  }
0x19: {  	s7 =	sld [smem:$0x3F9B]  }
0x1a: {  	s8 =	sadd.s32 $0xFFFFE003, lr  }
0x1b: {  	s9 =	sadd.s32 $0xFFFFFEF7, lr;
	s5 =	simm.s32 $0xFFFFFFFF;
	p2 =	slt.u32 s8, $0xFFFFF086  }
0x1c: {  	p1 =	slt.u32 s9, $0xF7A;
	s5 =	simm.s32 @!p2 $0x0  }
0x1d: {  	s5 =	simm.s32 @p1 $0x1;
	p0 =	seq.s32 s7, s2  }
0x1e: {  	s7 =	smul.u32 @!p0 $0xF7A, s2;
	p2 =	seq.s32 @!p0 s5, $0x0  }
0x1f: {  	s9 =	smul.u32 $0xF7A, s1;
	s8 =	simm.s32 @!p0 $0x1BF5;
	p2 =	por !p2, p0  }
0x20: {  	[sflag:s8] =	ssyncset.s32 @!p0 $0xFFFFF086;
	s6 =	sadd.s32 @!p0 s3, s7;
	s7 =	simm.s32 @!p0 $0x108  }
0x21: {  	s3 =	sadd.s32 s3, s9;
	s6 =	sadd.s32 @!p0 $0x88, s6;
	s7 =	simm.s32 @p2 $0x1082  }
0x22: {  	[simem:s7], [sflag:s8] =	dma.local @!p0 [hbm:s6], $0xF7A  }
0x23: {  	s9 =	sor.u32 $0xD0000000, s2;
	s6 =	simm.s32 $0x108;
	_ =	swait.ge @!p0 [sflag:s8], $0x0  }
0x24: {  	s3 =	sadd.s32 $0x88, s3;
	s6 =	simm.s32 @!p1 $0x1082;
	[sflag:s4] =	ssyncset.s32 $0xFFFFF086  }
0x25: {  	[simem:s6], [sflag:s4] =	dma.local [hbm:s3], $0xF7A  }
0x26: {  	[smem:$0x3F9B] =	sst s1;
	(tag) =	ssettag s2;
	_ =	strace s9  }
0x27: {  	s1 =	sld [smem:$0x3FAB]  }
0x28: {  	s2 =	sld [smem:$0x3FAC]  }
0x29: {  	s4 =	sld [smem:$0x3FAE]  }
0x2a: {  	p0 =	seq.s32 s5, $0x0;
	s5 =	sld [smem:$0x3FAF]  }
0x2b: {  	s6 =	sld [smem:$0x3FB0]  }
0x2c: {  	s7 =	sld [smem:$0x3FB1]  }
0x2d: {  	s3 =	simm.s32 $0x108;
	s8 =	sld [smem:$0x3FB2]  }
0x2e: {  	s3 =	simm.s32 @!p0 $0x1082;
	s9 =	sld [smem:$0x3FB3]  }
0x2f: {  	lr =	sadd.s32 s0, s3;
	s0 =	sld [smem:$0x3FAA]  }
0x30: {  	s3 =	sld [smem:$0x3FAD]  }
0x31: {  	[smem:$0x3FB6] =	sst s10  }
0x32: {  	s10 =	sld [smem:$0x3FB4];
	_ =	sdelay $0x3  }
0x33: {  	p0 =	seq.s32 s10, $0x1;
	s10 =	sld [smem:$0x3FB6];
	_ =	sdelay $0x3  }
0x34: {  	[smem:$0x3FB6] =	sst s10  }
0x35: {  	s10 =	sld [smem:$0x3FB5];
	_ =	sdelay $0x3  }
0x36: {  	p1 =	seq.s32 s10, $0x1;
	s10 =	sld [smem:$0x3FB6];
	_ =	sdelay $0x3  }
0x37: {  	[smem:$0x3FB6] =	sst s10  }
0x38: {  	s10 =	sld [smem:$0x3FB7]  }
0x39: {  	_ = 	snop;
	(pc) =	sbr.ind lr, $3  }
0x3a: {  	_ = 	snop  }
0x3b: {  	_ = 	snop  }
0x3c: {  	p2 =	seq.s32 s10, $0x1;
	s10 =	sld [smem:$0x3FB6]  }
0x3d: {  	_ =	shalt  }
0x3e: {  	_ =	shalt  }
0x3f: {  	_ =	shalt  }
0x40: {  	_ =	shalt  }
0x41: {  	_ =	shalt  }
0x42: {  	_ =	shalt  }
0x43: {  	_ =	shalt  }
0x44: {  	_ =	shalt  }
0x45: {  	_ =	shalt  }
0x46: {  	_ =	shalt  }
0x47: {  	_ =	shalt  }
0x48: {  	_ =	shalt  }
0x49: {  	_ =	shalt  }
0x4a: {  	_ =	shalt  }
0x4b: {  	_ =	shalt  }
0x4c: {  	_ =	shalt  }
0x4d: {  	_ =	shalt  }
0x4e: {  	_ =	shalt  }
0x4f: {  	_ =	shalt  }
0x50: {  	_ =	shalt  }
0x51: {  	_ =	shalt  }
0x52: {  	_ =	shalt  }
0x53: {  	_ =	shalt  }
0x54: {  	_ =	shalt  }
0x55: {  	_ =	shalt  }
0x56: {  	_ =	shalt  }
0x57: {  	_ =	shalt  }
0x58: {  	_ =	shalt  }
0x59: {  	_ =	shalt  }
0x5a: {  	_ =	shalt  }
0x5b: {  	_ =	shalt  }
0x5c: {  	_ =	shalt  }
0x5d: {  	_ =	shalt  }
0x5e: {  	_ =	shalt  }
0x5f: {  	_ =	shalt  }
0x60: {  	_ =	shalt  }
0x61: {  	_ =	shalt  }
0x62: {  	_ =	shalt  }
0x63: {  	_ =	shalt  }
0x64: {  	_ =	shalt  }
0x65: {  	_ =	shalt  }
0x66: {  	_ =	shalt  }
0x67: {  	_ =	shalt  }
0x68: {  	_ =	shalt  }
0x69: {  	_ =	shalt  }
0x6a: {  	_ =	shalt  }
0x6b: {  	_ =	shalt  }
0x6c: {  	_ =	shalt  }
0x6d: {  	_ =	shalt  }
0x6e: {  	_ =	shalt  }
0x6f: {  	_ =	shalt  }
0x70: {  	_ =	shalt  }
0x71: {  	_ =	shalt  }
0x72: {  	_ =	shalt  }
0x73: {  	_ =	shalt  }
0x74: {  	_ =	shalt  }
0x75: {  	_ =	shalt  }
0x76: {  	_ =	shalt  }
0x77: {  	_ =	shalt  }
0x78: {  	_ =	shalt  }
0x79: {  	_ =	shalt  }
0x7a: {  	_ =	shalt  }
0x7b: {  	_ =	shalt  }
0x7c: {  	_ =	shalt  }
0x7d: {  	_ =	shalt  }
0x7e: {  	_ =	shalt  }
0x7f: {  	_ =	shalt  }
0x80: {  	_ =	shalt  }
0x81: {  	_ =	shalt  }
0x82: {  	_ =	shalt  }
0x83: {  	_ =	shalt  }
0x84: {  	_ =	shalt  }
0x85: {  	_ =	shalt  }
0x86: {  	_ =	shalt  }
0x87: {  	_ =	shalt  }
.Lfunc_end0:
.L_simem_size_0:
called_computation.1_lowered:
.L_overlay_start_0:
0x88: {  	s2 =	sld [smem:$0x3FD9]  }
0x89: {  	s3 =	sld [smem:$0x3FFE];
	_ =	sdelay $0x1  }
0x8a: {  	s1 =	srdreg.scid  }
0x8b: {  	s0 =	sand.u32 $0x1, s1  }
0x8c: {  	s17 =	sshll.u32 s0, $0xA;
	s2 =	sadd.s32 s3, s2  }
0x8d: {  	s2 =	sadd.s32 s2, s17  }
0x8e: {  	[smem:$0x3FC2] =	sst s2  }
0x8f: {  	_ = 	snop  }
0x90: {  	s2 =	sld [smem:$0x3FD0];
	(tm) =	ssettm $0x1  }
0x91: {  	s18 =	sld [smem:$0x3FFB];
	_ =	sdelay $0x3  }
0x92: {  	_ =	strace s18  }
0x93: {  	s3 =	sld [smem:$0x3FFC];
	_ =	sdelay $0x3  }
0x94: {  	_ =	strace s3  }
0x95: {  	s3 =	sld [smem:$0x3FFD];
	_ =	sdelay $0x3  }
0x96: {  	_ =	strace s3  }
0x97: {  	_ =	strace $0x8FFFFFFF  }
0x98: {  	s19 =	sld [smem:$0x3FDB];
	_ =	sdelay $0x1  }
0x99: {  	s4 =	simm.s32 $_scs_section_size  }
0x9a: {  	s5 =	simm.s32 $_size__tile_overlayer_lowered;
	s6 =	simm.s32 $_tile_overlayer_lowered  }
0x9b: {  	s22 =	simm.s32 $0x1BFF;
	s21 =	sshll.u32 s6, $0x1;
	s3 =	sadd.s32 s4, s19  }
0x9c: {  	s7 =	simm.s32 $0x0;
	s20 =	sshll.u32 s5, $0x1;
	s5 =	sadd.s32 s21, s3  }
0x9d: {  	[timem:s7], [sflag:s22] =	dma.local [hbm:s5], s20  }
0x9e: {  	_ =	swait.ge [sflag:s22], s20  }
0x9f: {  	s4 =	ssub.s32 $0x0, s20;
	[sflag:s22] =	ssyncset.done $0x0  }
0xa0: {  	[sflag:s22] =	ssyncadd.s32 s4;
	_ =	sdelay $0x1  }
0xa1: {  	s23 =	simm.s32 $0x1B8B  }
0xa2: {  	_ =	swait.ge [sflag:s23], $0x1  }
0xa3: {  	[sflag:s23] =	ssyncset.done $0x0  }
0xa4: {  	s25 =	simm.s32 $0x1B8E;
	s24 =	sld [smem:$0x3FFE];
	[sflag:s23] =	ssyncadd.s32 $0xFFFFFFFF  }
0xa5: {  	s26 =	simm.s32 $execute0_lowered;
	[smem:$0x3FD2] =	sst s25  }
0xa6: {  	s5 =	sshll.u32 s26, $0x1;
	_ =	strace $0x80000049;
	[dreg:$0x1] =	wrdreg $0xFFFFFFFF  }
0xa7: {  	s28 =	simm.s32 $_size_execute0_lowered;
	s3 =	sadd.s32 s3, s5;
	[dreg:$0x0] =	wrdreg $0x0  }
0xa8: {  	s5 =	sshll.u32 s28, $0x1;
	[dreg:$0x2] =	wrdreg s3  }
0xa9: {  	[dreg:$0x3] =	wrdreg s5  }
0xaa: {  	[dreg:$0x4] =	wrdreg $0xC0  }
0xab: {  	_ =	task [dreg:s7], $0x5FFFF  }
0xac: {  	[dreg:$0x1] =	wrdreg $0xFFFFFFFF  }
0xad: {  	[dreg:$0x0] =	wrdreg $0x60  }
0xae: {  	[dreg:$0x2] =	wrdreg s24  }
0xaf: {  	[dreg:$0x3] =	wrdreg s2  }
0xb0: {  	[dreg:$0x4] =	wrdreg $0x150000  }
0xb1: {  	[dreg:$0x5] =	wrdreg $0x9  }
0xb2: {  	_ =	task.clear_ibuf [dreg:s7], $0x6FFFF;
	_ =	strace $0x90000049  }
0xb3: {  	s29 =	simm.s32 $0x9;
	_ =	strace $0x8000004B  }
0xb4: {  	_ =	swait.ge [sflag:s29], $0x1  }
0xb5: {  	[sflag:s29] =	ssyncadd.s32 $0xFFFFFFFF  }
0xb6: {  	_ =	strace $0x9000004B  }
0xb7: {  	_ =	sfence  }
0xb8: {  	s30 =	sld [smem:$0x0];
	_ =	sdelay $0x2  }
0xb9: {  	s31 =	sshll.u32 s1, $0xD;
	s1 =	sshrl.u32 s1, $0x2  }
0xba: {  	s3 =	sand.u32 $0x4000, s31;
	s1 =	sadd.s32 s1, s30  }
0xbb: {  	s0 =	sor.u32 s3, s0;
	s1 =	sshll.u32 s1, $0x11  }
0xbc: {  	s0 =	sor.u32 s1, s0  }
0xbd: {  	s0 =	sadd.s32 $0x8F2B, s0  }
0xbe: {  	[sflag:s0] =	ssyncadd.remote.s32 $0x1  }
0xbf: {  	_ =	sfence.sel $0xFFFF  }
0xc0: {  	[dreg:$0x0] =	wrdreg $0xFFFFFFFF;
	(pc) =	sbr.abs _section_cstart, $3  }
0xc1: {  	[dreg:$0x1] =	wrdreg $0xFFFFFFFF  }
0xc2: {  	_ =	task.clear_ibuf [dreg:s7], $0x2FFFF;
	_ =	strace $0x9FFFFFFF  }
0xc3: {  	(tm) =	ssettm $0x7FFFFFFF  }
tec
execute0_lowered:
.L_overlay_start_1:
0x0: {  	(tag) =	ssettag $0x1  }
0x1: {  	s0 =	rddreg [dreg:$0x0]  }
0x2: {  	s1 =	rddreg [dreg:$0x1]  }
0x3: {  	s2 =	rddreg [dreg:$0x2]  }
0x4: {  	s4 =	srdreg.scid;
	s13 =	stileid.u32;
	s3 =	simm.s32 $0x0  }
0x5: {  	s14 =	simm.s32 $0x1;
	s15 =	simm.s32 $0x2;
	s16 =	simm.s32 $0x3  }
0x6: {  	s17 =	simm.s32 $0x80;
	s18 =	simm.s32 $0x5000;
	s19 =	simm.s32 $0x7000  }
0x7: {  	s21 =	simm.s32 $0x9000;
	s23 =	simm.s32 $0xB000;
	s25 =	simm.s32 $0xD000  }
0x8: {  	s28 =	simm.s32 $0xF000;
	s30 =	simm.s32 $0x11000;
	s20 =	simm.s32 $0x6  }
0x9: {  	s22 =	simm.s32 $0x7;
	s24 =	simm.s32 $0x8;
	s29 =	simm.s32 $0x0  }
0xa: {  	s4 =	sand.u32 $0x1, s4;
	s5 =	smul.u32 $0xA000, s13;
	[smem:$0x7FF] =	sst s3  }
0xb: {  	s6 =	sshll.u32 s13, $0x1;
	s7 =	smul.u32 $0xA0000, s4;
	_ =	strace $0x8000004A  }
0xc: {  	s6 =	sor.u32 s4, s6;
	s8 =	ssub.s32 $0x2, s4;
	s4 =	sadd.s32 $0xB000, s0  }
0xd: {  	s6 =	smul.u32 $0x500, s6;
	s9 =	sshrl.u32 s8, $0x1;
	s12 =	sadd.s32 s5, s2  }
0xe: {  	s26 =	sshrl.u32 s5, $0x3;
	s7 =	sadd.s32 s5, s7;
	s11 =	ssub.s32 s8, s9  }
0xf: {  	s5 =	sshll.u32 s13, $0x6;
	s12 =	sshrl.u32 s12, $0x3;
	s13 =	simm.s32 $0x5  }
.Ltmp0:
0x10: {  	s7 =	sshrl.u32 s7, $0x3;
	s10 =	sadd.s32 s6, s0;
	(pc) =	sbr.rel .LBB2_1-.Ltmp0, $4  }
0x11: {  	s31 =	sor.u32 $0x1C01, s5;
	s8 =	sadd.s32 s1, s6;
	s11 =	smax.u32 s11, $0x1  }
0x12: {  	s1 =	simm.s32 $0x4;
	s0 =	sadd.s32 s7, s0;
	s7 =	sadd.s32 s4, s26  }
0x13: {  	[dreg:$0x5] =	wrdreg s31;
	s9 =	sadd.s32 $0x1000, s10;
	s26 =	simm.s32 $0x9  }
0x14: {  	[dreg:$0x4] =	wrdreg s7;
	s10 =	sadd.s32 $0x1F000, s0;
	s0 =	simm.s32 $0x13000  }
.LBB2_4:
0x15: {  	_ =	swait.ge [sflag:s15], $0x2000  }
0x16: {  	[sflag:s15] =	ssyncset.done $0x0  }
0x17: {  	[sflag:s15] =	ssyncadd.s32 $0xFFFFE000  }
0x18: {  	_ =	swait.ge [sflag:s16], $0x2000  }
0x19: {  	[sflag:s16] =	ssyncset.done $0x0  }
0x1a: {  	[sflag:s16] =	ssyncadd.s32 $0xFFFFE000  }
0x1b: {  	_ =	swait.ge [sflag:s1], $0x2000  }
0x1c: {  	[sflag:s1] =	ssyncset.done $0x0  }
0x1d: {  	[sflag:s1] =	ssyncadd.s32 $0xFFFFE000  }
0x1e: {  	_ =	swait.ge [sflag:s13], $0x2000  }
0x1f: {  	[sflag:s13] =	ssyncset.done $0x0  }
0x20: {  	[sflag:s13] =	ssyncadd.s32 $0xFFFFE000  }
0x21: {  	_ =	swait.ge [sflag:s20], $0x2000  }
0x22: {  	[sflag:s20] =	ssyncset.done $0x0  }
0x23: {  	[sflag:s20] =	ssyncadd.s32 $0xFFFFE000  }
0x24: {  	_ =	swait.ge [sflag:s22], $0x2000  }
0x25: {  	[sflag:s22] =	ssyncset.done $0x0  }
0x26: {  	[sflag:s22] =	ssyncadd.s32 $0xFFFFE000  }
0x27: {  	_ =	swait.ge [sflag:s24], $0x2000  }
0x28: {  	s29 =	sadd.s32 $0x1, s29;
	[sflag:s24] =	ssyncset.done $0x0  }
0x29: {  	p0 =	sne.s32 s29, s11;
	[sflag:s24] =	ssyncadd.s32 $0xFFFFE000  }
.Ltmp1:
0x2a: {  	s6 =	sor.u32 $0x1C09, s5;
	[bflag:$0x0] =	sbarrier.arrive $0xFFFF;
	(pc) =	sbr.rel @!p0 .LBB2_5-.Ltmp1, $4  }
0x2b: {  	[hbm:s10], [sflag:s6] =	dma.local [spmem:s12], $0x1400  }
0x2c: {  	_ =	swait.ge [sflag:s26], $0x1400  }
0x2d: {  	[sflag:s26] =	ssyncset.done $0x0  }
0x2e: {  	[sflag:s26] =	ssyncadd.s32 $0xFFFFEC00  }
.LBB2_1:
0x2f: {  	s6 =	rddreg [dreg:$0x4]  }
0x30: {  	s7 =	rddreg [dreg:$0x5]  }
0x31: {  	[spmem:s12], [sflag:s7] =	dma.local [hbm:s6], $0x1400  }
0x32: {  	[tilespmem:s3], [sflag:$0x2] =	stream.linear.gather [hbm4b:s8+s3], $0x2800, $0x38;
	[tilespmem:$0x1F000] =	vst v63  }
0x33: {  	s7 =	simm.s32 $0x2800  }
0x34: {  	[tilespmem:s7], [sflag:$0x3] =	stream.linear.gather [hbm4b:s9+s3], $0x2800, $0x38;
	[tilespmem:$0x1F000] =	vst v63  }
0x35: {  	_ =	swait.ge [sflag:s14], $0x1400  }
0x36: {  	[sflag:s14] =	ssyncset.done $0x0  }
0x37: {  	[sflag:s14] =	ssyncadd.s32 $0xFFFFEC00  }
0x38: {  	_ =	swait.ge [sflag:s15], $0x2800  }
0x39: {  	[sflag:s15] =	ssyncset.done $0x0  }
0x3a: {  	[sflag:s15] =	ssyncadd.s32 $0xFFFFD800  }
0x3b: {  	_ =	swait.ge [sflag:s16], $0x2800  }
0x3c: {  	[sflag:s16] =	ssyncset.done $0x0  }
0x3d: {  	[sflag:s16] =	ssyncadd.s32 $0xFFFFD800  }
0x3e: {  	[bflag:$0x0] =	sbarrier.arrive $0xFFFF  }
0x3f: {  	[tilespmem:s18], [sflag:$0x1] =	stream.indirect.gather [hbm4b:s4+s17], $0x40, s3, s17, $0xb8;
	[tilespmem:$0x1F000] =	vst v63  }
0x40: {  	_ = 	snop  }
0x41: {  	[tilespmem:s19], [sflag:$0x2] =	stream.indirect.gather [hbm4b:s4+s17], $0x40, s17, s17, $0xb8;
	[tilespmem:$0x1F000] =	vst v63  }
0x42: {  	s7 =	simm.s32 $0x100  }
0x43: {  	[tilespmem:s21], [sflag:$0x3] =	stream.indirect.gather [hbm4b:s4+s17], $0x40, s7, s17, $0xb8;
	[tilespmem:$0x1F000] =	vst v63  }
0x44: {  	s7 =	simm.s32 $0x180  }
0x45: {  	[tilespmem:s23], [sflag:$0x4] =	stream.indirect.gather [hbm4b:s4+s17], $0x40, s7, s17, $0xb8;
	[tilespmem:$0x1F000] =	vst v63  }
0x46: {  	s7 =	simm.s32 $0x200  }
0x47: {  	[tilespmem:s25], [sflag:$0x5] =	stream.indirect.gather [hbm4b:s4+s17], $0x40, s7, s17, $0xb8;
	[tilespmem:$0x1F000] =	vst v63  }
0x48: {  	s7 =	simm.s32 $0x280  }
0x49: {  	[tilespmem:s28], [sflag:$0x6] =	stream.indirect.gather [hbm4b:s4+s17], $0x40, s7, s17, $0xb8;
	[tilespmem:$0x1F000] =	vst v63  }
0x4a: {  	s7 =	simm.s32 $0x300  }
0x4b: {  	[tilespmem:s30], [sflag:$0x7] =	stream.indirect.gather [hbm4b:s4+s17], $0x40, s7, s17, $0xb8;
	[tilespmem:$0x1F000] =	vst v63  }
0x4c: {  	s31 =	simm.s32 $0x0;
	s7 =	simm.s32 $0x380  }
0x4d: {  	[tilespmem:s0], [sflag:$0x8] =	stream.indirect.gather [hbm4b:s4+s17], $0x40, s7, s17, $0xb8;
	[tilespmem:$0x1F000] =	vst v63  }
.LBB2_2:
0x4e: {  	_ =	swait.ge [sflag:s14], $0x2000  }
0x4f: {  	s6 =	sshra.s32 s31, $0x2;
	[sflag:s14] =	ssyncset.done $0x0  }
0x50: {  	s7 =	sadd.s32 $0x2800, s6;
	[sflag:s14] =	ssyncadd.s32 $0xFFFFE000  }
0x51: {  	[spmem:s2] =	stream.indirect.scatter.add.f32 [tilespmem:s18], [sflag:$0x1], $0x40, s7, s17, $0xb8;
	[tilespmem:$0x1F000] =	vst v63  }
0x52: {  	_ =	swait.ge [sflag:s15], $0x2000  }
0x53: {  	[sflag:s15] =	ssyncset.done $0x0  }
0x54: {  	s7 =	sadd.s32 $0x2880, s6;
	[sflag:s15] =	ssyncadd.s32 $0xFFFFE000  }
0x55: {  	[spmem:s2] =	stream.indirect.scatter.add.f32 [tilespmem:s19], [sflag:$0x2], $0x40, s7, s17, $0xb8;
	[tilespmem:$0x1F000] =	vst v63  }
0x56: {  	_ =	swait.ge [sflag:s16], $0x2000  }
0x57: {  	[sflag:s16] =	ssyncset.done $0x0  }
0x58: {  	s7 =	sadd.s32 $0x2900, s6;
	[sflag:s16] =	ssyncadd.s32 $0xFFFFE000  }
0x59: {  	[spmem:s2] =	stream.indirect.scatter.add.f32 [tilespmem:s21], [sflag:$0x3], $0x40, s7, s17, $0xb8;
	[tilespmem:$0x1F000] =	vst v63  }
0x5a: {  	_ =	swait.ge [sflag:s1], $0x2000  }
0x5b: {  	[sflag:s1] =	ssyncset.done $0x0  }
0x5c: {  	s7 =	sadd.s32 $0x2980, s6;
	[sflag:s1] =	ssyncadd.s32 $0xFFFFE000  }
0x5d: {  	[spmem:s2] =	stream.indirect.scatter.add.f32 [tilespmem:s23], [sflag:$0x4], $0x40, s7, s17, $0xb8;
	[tilespmem:$0x1F000] =	vst v63  }
0x5e: {  	_ =	swait.ge [sflag:s13], $0x2000  }
0x5f: {  	[sflag:s13] =	ssyncset.done $0x0  }
0x60: {  	s7 =	sadd.s32 $0x2A00, s6;
	[sflag:s13] =	ssyncadd.s32 $0xFFFFE000  }
0x61: {  	[spmem:s2] =	stream.indirect.scatter.add.f32 [tilespmem:s25], [sflag:$0x5], $0x40, s7, s17, $0xb8;
	[tilespmem:$0x1F000] =	vst v63  }
0x62: {  	_ =	swait.ge [sflag:s20], $0x2000  }
0x63: {  	[sflag:s20] =	ssyncset.done $0x0  }
0x64: {  	s7 =	sadd.s32 $0x2A80, s6;
	[sflag:s20] =	ssyncadd.s32 $0xFFFFE000  }
0x65: {  	[spmem:s2] =	stream.indirect.scatter.add.f32 [tilespmem:s28], [sflag:$0x6], $0x40, s7, s17, $0xb8;
	[tilespmem:$0x1F000] =	vst v63  }
0x66: {  	_ =	swait.ge [sflag:s22], $0x2000  }
0x67: {  	[sflag:s22] =	ssyncset.done $0x0  }
0x68: {  	s7 =	sadd.s32 $0x2B00, s6;
	[sflag:s22] =	ssyncadd.s32 $0xFFFFE000  }
0x69: {  	[spmem:s2] =	stream.indirect.scatter.add.f32 [tilespmem:s30], [sflag:$0x7], $0x40, s7, s17, $0xb8;
	[tilespmem:$0x1F000] =	vst v63  }
0x6a: {  	_ =	swait.ge [sflag:s24], $0x2000  }
0x6b: {  	p0 =	seq.s32 s31, $0x9000;
	[sflag:s24] =	ssyncset.done $0x0  }
.Ltmp2:
0x6c: {  	s7 =	sadd.s32 $0x2B80, s6;
	[sflag:s24] =	ssyncadd.s32 $0xFFFFE000;
	(pc) =	sbr.rel @p0 .LBB2_4-.Ltmp2, $4  }
0x6d: {  	[spmem:s2] =	stream.indirect.scatter.add.f32 [tilespmem:s0], [sflag:$0x8], $0x40, s7, s17, $0xb8;
	[tilespmem:$0x1F000] =	vst v63  }
0x6e: {  	_ =	swait.ge [sflag:s14], $0x2000  }
0x6f: {  	[sflag:s14] =	ssyncset.done $0x0  }
0x70: {  	[sflag:s14] =	ssyncadd.s32 $0xFFFFE000  }
0x71: {  	s7 =	sadd.s32 $0x400, s6  }
0x72: {  	[tilespmem:s18], [sflag:$0x1] =	stream.indirect.gather [hbm4b:s4+s17], $0x40, s7, s17, $0xb8;
	[tilespmem:$0x1F000] =	vst v63  }
0x73: {  	_ =	swait.ge [sflag:s15], $0x2000  }
0x74: {  	[sflag:s15] =	ssyncset.done $0x0  }
0x75: {  	s7 =	sadd.s32 $0x480, s6;
	[sflag:s15] =	ssyncadd.s32 $0xFFFFE000  }
0x76: {  	[tilespmem:s19], [sflag:$0x2] =	stream.indirect.gather [hbm4b:s4+s17], $0x40, s7, s17, $0xb8;
	[tilespmem:$0x1F000] =	vst v63  }
0x77: {  	_ =	swait.ge [sflag:s16], $0x2000  }
0x78: {  	[sflag:s16] =	ssyncset.done $0x0  }
0x79: {  	s7 =	sadd.s32 $0x500, s6;
	[sflag:s16] =	ssyncadd.s32 $0xFFFFE000  }
0x7a: {  	[tilespmem:s21], [sflag:$0x3] =	stream.indirect.gather [hbm4b:s4+s17], $0x40, s7, s17, $0xb8;
	[tilespmem:$0x1F000] =	vst v63  }
0x7b: {  	_ =	swait.ge [sflag:s1], $0x2000  }
0x7c: {  	[sflag:s1] =	ssyncset.done $0x0  }
0x7d: {  	s7 =	sadd.s32 $0x580, s6;
	[sflag:s1] =	ssyncadd.s32 $0xFFFFE000  }
0x7e: {  	[tilespmem:s23], [sflag:$0x4] =	stream.indirect.gather [hbm4b:s4+s17], $0x40, s7, s17, $0xb8;
	[tilespmem:$0x1F000] =	vst v63  }
0x7f: {  	_ =	swait.ge [sflag:s13], $0x2000  }
0x80: {  	[sflag:s13] =	ssyncset.done $0x0  }
0x81: {  	s7 =	sadd.s32 $0x600, s6;
	[sflag:s13] =	ssyncadd.s32 $0xFFFFE000  }
0x82: {  	[tilespmem:s25], [sflag:$0x5] =	stream.indirect.gather [hbm4b:s4+s17], $0x40, s7, s17, $0xb8;
	[tilespmem:$0x1F000] =	vst v63  }
0x83: {  	_ =	swait.ge [sflag:s20], $0x2000  }
0x84: {  	[sflag:s20] =	ssyncset.done $0x0  }
0x85: {  	s7 =	sadd.s32 $0x680, s6;
	[sflag:s20] =	ssyncadd.s32 $0xFFFFE000  }
0x86: {  	[tilespmem:s28], [sflag:$0x6] =	stream.indirect.gather [hbm4b:s4+s17], $0x40, s7, s17, $0xb8;
	[tilespmem:$0x1F000] =	vst v63  }
0x87: {  	_ =	swait.ge [sflag:s22], $0x2000  }
0x88: {  	[sflag:s22] =	ssyncset.done $0x0  }
0x89: {  	s7 =	sadd.s32 $0x700, s6;
	[sflag:s22] =	ssyncadd.s32 $0xFFFFE000  }
0x8a: {  	[tilespmem:s30], [sflag:$0x7] =	stream.indirect.gather [hbm4b:s4+s17], $0x40, s7, s17, $0xb8;
	[tilespmem:$0x1F000] =	vst v63  }
.Ltmp3:
0x8b: {  	_ = 	snop;
	(pc) =	sbr.rel .LBB2_2-.Ltmp3, $4  }
0x8c: {  	_ =	swait.ge [sflag:s24], $0x2000  }
0x8d: {  	[sflag:s24] =	ssyncset.done $0x0  }
0x8e: {  	s31 =	sadd.s32 $0x1000, s31;
	s7 =	sadd.s32 $0x780, s6;
	[sflag:s24] =	ssyncadd.s32 $0xFFFFE000  }
0x8f: {  	[tilespmem:s0], [sflag:$0x8] =	stream.indirect.gather [hbm4b:s4+s17], $0x40, s7, s17, $0xb8;
	[tilespmem:$0x1F000] =	vst v63  }
.LBB2_5:
0x90: {  	_ =	sfence.sel $0x180000  }
0x91: {  	[bflag:$0x0] =	sbarrier.arrive $0xFFFF  }
0x92: {  	_ =	strace $0x9000004A  }
0x93: {  	s0 =	stileid.u32;
	[bflag:$0x2] =	sbarrier.arrive $0xFFFF  }
0x94: {  	p0 =	sne.s32 s0, $0x0;
	s0 =	rddreg [dreg:$0x3]  }
0x95: {  	s0 =	sadd.s32 @!p0 $0x100000, s0  }
0x96: {  	[sflag:s0] =	ssyncadd.tile.s32 @!p0 $0x1;
	_ =	shalt  }
.Lfunc_end2:
_tile_overlayer_lowered:
.L_overlay_start_2:
0x97: {  	(tag) =	ssettag $0x2  }
0x98: {  	s0 =	rddreg [dreg:$0x0];
	s2 =	stileid.u32  }
0x99: {  	s1 =	rddreg [dreg:$0x1];
	p0 =	sne.s32 s2, $0x0  }
0x9a: {  	s3 =	rddreg [dreg:$0x2];
	[bflag:$0x3] =	sbarrier.arrive $0xFFFF;
	s2 =	simm.s32 @!p0 $0x1C09  }
0x9b: {  	[timem:s3], [sflag:s2] =	dma.local @!p0 [hbm:s0], s1  }
0x9c: {  	s0 =	simm.s32 @!p0 $0x9  }
0x9d: {  	_ =	swait.ge @!p0 [sflag:s0], s1  }
0x9e: {  	s1 =	ssub.s32 @!p0 $0x0, s1;
	[sflag:s0] =	ssyncset.done @!p0 $0x0  }
0x9f: {  	[sflag:s0] =	ssyncadd.s32 @!p0 s1  }
0xa0: {  	[bflag:$0x3] =	sbarrier.arrive $0xFFFF  }
0xa1: {  	_ =	shalt  }

</sc_bundles>
